<compile_context>
chip_gen: v7x
topology: tpu7x:2x2x1
jax: 0.10.2.dev20260603
libtpu: 0.0.44.dev20260713+nightly
codegen_flags: <defaults>
</compile_context>

<pallas_src>
import functools

import jax
import jax.numpy as jnp
from jax import lax
from jax.experimental import pallas as pl
from jax.experimental.pallas import tpu as pltpu
from jax.experimental.pallas import tpu_sc as plsc

D_MODEL = 64
NUM_CORES = 2
NUM_SUBCORES = 16
LANES = 16
NUM_WORKERS = NUM_CORES * NUM_SUBCORES
NBUF = 6
SKEW = 3


def _gather_splits(hist):
    splits, off = [], 0
    while hist - off > 128:
        splits.append((off, 104))
        off += 104
    splits.append((off, hist - off))
    return splits


def _fixup_padding(idx_v, buf, b, r, hist):
    offs = list(range(0, hist - LANES + 1, LANES))
    if offs[-1] != hist - LANES:
        offs.append(hist - LANES)
    for off in offs:
        v = idx_v[r, pl.ds(off, LANES)]
        m = v == 0
        nzero = plsc.all_reduce_population_count(m)

        @pl.when(nzero[0] > 0)
        def _zero_rows(m=m, off=off):
            rows = off + lax.iota(jnp.int32, LANES)
            zeros = jnp.zeros((LANES,), jnp.float32)

            def col_body(c, cc):
                cols = jnp.full((LANES,), c, jnp.int32)
                plsc.store_scatter(buf.at[b], [rows, cols], zeros, mask=m)
                return cc

            lax.fori_loop(0, D_MODEL, col_body, 0)


def _emb_body(tok_hbm, w_hbm, out_hbm, idx_v, buf, gsem, wsem, *,
              rows_per_worker, hist):
    wid = lax.axis_index("s") * NUM_CORES + lax.axis_index("c")
    row0 = wid * rows_per_worker
    splits = _gather_splits(hist)
    pltpu.sync_copy(tok_hbm.at[pl.ds(row0, rows_per_worker)], idx_v)

    def pipe_body(i, carry):
        j_w = i - NBUF

        @pl.when((j_w >= 0) & (j_w < rows_per_worker))
        def _wait_wb():
            pltpu.make_async_copy(
                buf.at[j_w % NBUF],
                out_hbm.at[row0 + j_w, :, pl.ds(0, D_MODEL)],
                wsem.at[j_w % NBUF],
            ).wait()

        @pl.when(i < rows_per_worker)
        def _start_gather():
            b = i % NBUF
            for off, size in splits:
                pltpu.async_copy(
                    w_hbm.at[idx_v.at[i, pl.ds(off, size)]],
                    buf.at[b, pl.ds(off, size)],
                    gsem.at[b],
                )

        j = i - SKEW

        @pl.when((j >= 0) & (j < rows_per_worker))
        def _consume():
            b = j % NBUF
            for off, size in splits:
                pltpu.make_async_copy(
                    w_hbm.at[idx_v.at[j, pl.ds(off, size)]],
                    buf.at[b, pl.ds(off, size)],
                    gsem.at[b],
                ).wait()
            _fixup_padding(idx_v, buf, b, j, hist)
            pltpu.async_copy(
                buf.at[b],
                out_hbm.at[row0 + j, :, pl.ds(0, D_MODEL)],
                wsem.at[b],
            )

        return carry

    lax.fori_loop(0, rows_per_worker + NBUF, pipe_body, 0)


def kernel(tokens, weight):
    batch, hist = tokens.shape
    assert batch % NUM_WORKERS == 0
    rows_per_worker = batch // NUM_WORKERS
    idx = tokens.astype(jnp.int32)

    emb = functools.partial(
        pl.kernel,
        out_type=jax.ShapeDtypeStruct((batch, hist, 128), jnp.float32),
        mesh=plsc.VectorSubcoreMesh(core_axis_name="c", subcore_axis_name="s"),
        compiler_params=pltpu.CompilerParams(
            needs_layout_passes=False, use_tc_tiling_on_sc=False
        ),
        scratch_types=[
            pltpu.VMEM((rows_per_worker, hist), jnp.int32),
            pltpu.VMEM((NBUF, hist, D_MODEL), jnp.float32),
            pltpu.SemaphoreType.DMA((NBUF,)),
            pltpu.SemaphoreType.DMA((NBUF,)),
        ],
    )(functools.partial(_emb_body, rows_per_worker=rows_per_worker,
                        hist=hist))

    return emb(idx, weight)[..., :D_MODEL]

# --- scband reference (transcript-rebuilt; emitter-appended) ---
"""Pipeline reference for scband-embedding-33011118637838 (READ-ONLY COPY).

The authoritative reference and input builder live on the scoring server;
editing this copy changes nothing except your own understanding.
"""

import jax, jax.numpy as jnp
import numpy as np

VOCAB = 1000000
D_MODEL = 64
BATCH = 4096
HIST = 200
PADDING_IDX = 0

def setup_inputs(seed: int = 0) -> dict:
    key = jax.random.key(seed)
    k_tok, k_w = jax.random.split(key)
    tokens = jax.random.randint(k_tok, (BATCH, HIST), 0, VOCAB, dtype=jnp.int64 if jax.config.jax_enable_x64 else jnp.int32)
    weight = jax.random.normal(k_w, (VOCAB, D_MODEL), dtype=jnp.float32)
    return {"tokens": tokens, "weight": weight}

def reference(tokens, weight):
    # nn.Embedding with padding_idx=0: row 0 is treated as the padding row.
    # Torch initializes that row to zeros; emulate by zeroing row 0 before lookup.
    w = weight.at[PADDING_IDX].set(0.0)
    return jnp.take(w, tokens, axis=0)

if __name__ == "__main__":
    import jax
    _d = setup_inputs()
    print(jax.jit(kernel)(*tuple(_d.values())))

</pallas_src>

<mosaic_0001>
#map = affine_map<(d0, d1) -> (0, 0)>
#map1 = affine_map<(d0, d1) -> (0, 0, 0)>
module attributes {stable_mosaic.version = 14 : i64} {
  func.func @_emb_body(%arg0: i32, %arg1: i32, %arg2: memref<4096x200xi32, #tpu.memory_space<hbm>>, %arg3: memref<1000000x64xf32, #tpu.memory_space<hbm>>, %arg4: memref<4096x200x128xf32, #tpu.memory_space<hbm>>, %arg5: memref<128x200xi32, #tpu.memory_space<vmem>>, %arg6: memref<6x200x64xf32, #tpu.memory_space<vmem>>, %arg7: memref<6x!tpu.dma_semaphore, #tpu.memory_space<semaphore_mem>>, %arg8: memref<6x!tpu.dma_semaphore, #tpu.memory_space<semaphore_mem>>) attributes {dimension_semantics = [#tpu.dimension_semantics<core_parallel>, #tpu.dimension_semantics<subcore_parallel>], iteration_bounds = array<i64: 2, 16>, scalar_prefetch = 0 : i64, scratch_operands = 4 : i64, tpu.core_type = #tpu.core_type<sc_vector_subcore>, window_params = [{transform_indices = #map}, {transform_indices = #map}, {transform_indices = #map1}]} {
    %mul3A = arith.constant 2 : i32
    %mul3A_0 = arith.muli %arg1, %mul3A : i32
    %add3A = arith.addi %mul3A_0, %arg0 : i32
    %mul3A_1 = arith.constant 128 : i32
    %mul3A_2 = arith.muli %add3A, %mul3A_1 : i32
    "tpu.region"() ({
      %run_scoped3A = tpu.sem_alloc : memref<!tpu.dma_semaphore, #tpu.memory_space<semaphore_mem>>
      %dma_start3A = arith.constant 0 : i32
      %dma_start3A_8 = tpu.memref_slice %arg2[%mul3A_2, %dma_start3A] : memref<4096x200xi32, #tpu.memory_space<hbm>> -> memref<128x200xi32, #tpu.memory_space<hbm>>
      %dma_start3A_9 = arith.constant 0 : i32
      %dma_start3A_10 = tpu.memref_slice %arg2[%mul3A_2, %dma_start3A_9] : memref<4096x200xi32, #tpu.memory_space<hbm>> -> memref<128x200xi32, #tpu.memory_space<hbm>>
      tpu.enqueue_dma source(%dma_start3A_10 : memref<128x200xi32, #tpu.memory_space<hbm>>) target(%arg5 : memref<128x200xi32, #tpu.memory_space<vmem>>) target_semaphore(%run_scoped3A : memref<!tpu.dma_semaphore, #tpu.memory_space<semaphore_mem>>)
      %dma_wait3A = arith.constant 0 : i32
      %dma_wait3A_11 = tpu.memref_slice %arg2[%mul3A_2, %dma_wait3A] : memref<4096x200xi32, #tpu.memory_space<hbm>> -> memref<128x200xi32, #tpu.memory_space<hbm>>
      %dma_wait3A_12 = arith.constant 0 : i32
      %dma_wait3A_13 = tpu.memref_slice %arg2[%mul3A_2, %dma_wait3A_12] : memref<4096x200xi32, #tpu.memory_space<hbm>> -> memref<128x200xi32, #tpu.memory_space<hbm>>
      tpu.wait_dma2 semaphore(%run_scoped3A : memref<!tpu.dma_semaphore, #tpu.memory_space<semaphore_mem>>) src(%dma_wait3A_13 : memref<128x200xi32, #tpu.memory_space<hbm>>) dst(%arg5 : memref<128x200xi32, #tpu.memory_space<vmem>>)
      tpu.yield
    }) : () -> ()
    %scan3A = arith.constant 0 : i32
    %scan3A_3 = arith.constant 0 : i32
    %scan3A_4 = arith.constant 134 : i32
    %scan3A_5 = arith.addi %scan3A_3, %scan3A_4 : i32
    %scan3A_6 = arith.constant 1 : i32
    scf.for %scan3A_8 = %scan3A_3 to %scan3A_5 step %scan3A_6  : i32 {
      %sub3A = arith.constant 6 : i32
      %sub3A_9 = arith.subi %scan3A_8, %sub3A : i32
      %ge3A = arith.constant 0 : i32
      %ge3A_10 = arith.cmpi sge, %sub3A_9, %ge3A : i32
      %lt3A = arith.constant 128 : i32
      %lt3A_11 = arith.cmpi slt, %sub3A_9, %lt3A : i32
      %and3A = arith.andi %ge3A_10, %lt3A_11 : i1
      %convert_element_type3A = arith.extui %and3A : i1 to i32
      %cond3A = arith.constant 0 : i32
      %cond3A_12 = arith.cmpi ne, %convert_element_type3A, %cond3A : i32
      scf.if %cond3A_12 {
        %jit3A = arith.constant 6 : i32
        %eq3A = arith.constant 0 : i32
        %eq3A_28 = arith.cmpi eq, %jit3A, %eq3A : i32
        %jit3A_29 = arith.constant 1 : i32
        %select_n3A = arith.select %eq3A_28, %jit3A_29, %jit3A : i32
        %rem3A = arith.remsi %sub3A_9, %select_n3A : i32
        %ne3A = arith.constant 0 : i32
        %ne3A_30 = arith.cmpi ne, %rem3A, %ne3A : i32
        %lt3A_31 = arith.constant 0 : i32
        %lt3A_32 = arith.cmpi slt, %rem3A, %lt3A_31 : i32
        %lt3A_33 = arith.constant 0 : i32
        %lt3A_34 = arith.cmpi slt, %select_n3A, %lt3A_33 : i32
        %ne3A_35 = arith.xori %lt3A_32, %lt3A_34 : i1
        %and3A_36 = arith.andi %ne3A_35, %ne3A_30 : i1
        %add3A_37 = arith.addi %rem3A, %select_n3A : i32
        %select_n3A_38 = arith.select %and3A_36, %add3A_37, %rem3A : i32
        %add3A_39 = arith.addi %mul3A_2, %sub3A_9 : i32
        %jit3A_40 = arith.constant 6 : i32
        %eq3A_41 = arith.constant 0 : i32
        %eq3A_42 = arith.cmpi eq, %jit3A_40, %eq3A_41 : i32
        %jit3A_43 = arith.constant 1 : i32
        %select_n3A_44 = arith.select %eq3A_42, %jit3A_43, %jit3A_40 : i32
        %rem3A_45 = arith.remsi %sub3A_9, %select_n3A_44 : i32
        %ne3A_46 = arith.constant 0 : i32
        %ne3A_47 = arith.cmpi ne, %rem3A_45, %ne3A_46 : i32
        %lt3A_48 = arith.constant 0 : i32
        %lt3A_49 = arith.cmpi slt, %rem3A_45, %lt3A_48 : i32
        %lt3A_50 = arith.constant 0 : i32
        %lt3A_51 = arith.cmpi slt, %select_n3A_44, %lt3A_50 : i32
        %ne3A_52 = arith.xori %lt3A_49, %lt3A_51 : i1
        %and3A_53 = arith.andi %ne3A_52, %ne3A_47 : i1
        %add3A_54 = arith.addi %rem3A_45, %select_n3A_44 : i32
        %select_n3A_55 = arith.select %and3A_53, %add3A_54, %rem3A_45 : i32
        %dma_wait3A = arith.constant 0 : i32
        %dma_wait3A_56 = arith.constant 0 : i32
        %dma_wait3A_57 = tpu.memref_slice %arg6[%select_n3A_38, %dma_wait3A, %dma_wait3A_56] : memref<6x200x64xf32, #tpu.memory_space<vmem>> -> memref<1x200x64xf32, #tpu.memory_space<vmem>>
        %dma_wait3A_58 = tpu.memref_squeeze %dma_wait3A_57 : memref<1x200x64xf32, #tpu.memory_space<vmem>> -> memref<200x64xf32, #tpu.memory_space<vmem>>
        %dma_wait3A_59 = arith.constant 0 : i32
        %dma_wait3A_60 = arith.constant 0 : i32
        %dma_wait3A_61 = tpu.memref_slice %arg4[%add3A_39, %dma_wait3A_59, %dma_wait3A_60] : memref<4096x200x128xf32, #tpu.memory_space<hbm>> -> memref<1x200x64xf32, #tpu.memory_space<hbm>>
        %dma_wait3A_62 = tpu.memref_squeeze %dma_wait3A_61 : memref<1x200x64xf32, #tpu.memory_space<hbm>> -> memref<200x64xf32, #tpu.memory_space<hbm>>
        %dma_wait3A_63 = tpu.memref_slice %arg8[%select_n3A_55] : memref<6x!tpu.dma_semaphore, #tpu.memory_space<semaphore_mem>> -> memref<1x!tpu.dma_semaphore, #tpu.memory_space<semaphore_mem>>
        %dma_wait3A_64 = tpu.memref_squeeze %dma_wait3A_63 : memref<1x!tpu.dma_semaphore, #tpu.memory_space<semaphore_mem>> -> memref<!tpu.dma_semaphore, #tpu.memory_space<semaphore_mem>>
        %dma_wait3A_65 = arith.constant 0 : i32
        %dma_wait3A_66 = arith.constant 0 : i32
        %dma_wait3A_67 = tpu.memref_slice %arg4[%add3A_39, %dma_wait3A_65, %dma_wait3A_66] : memref<4096x200x128xf32, #tpu.memory_space<hbm>> -> memref<1x200x64xf32, #tpu.memory_space<hbm>>
        %dma_wait3A_68 = tpu.memref_squeeze %dma_wait3A_67 : memref<1x200x64xf32, #tpu.memory_space<hbm>> -> memref<200x64xf32, #tpu.memory_space<hbm>>
        %dma_wait3A_69 = arith.constant 0 : i32
        %dma_wait3A_70 = arith.constant 0 : i32
        %dma_wait3A_71 = tpu.memref_slice %arg6[%select_n3A_38, %dma_wait3A_69, %dma_wait3A_70] : memref<6x200x64xf32, #tpu.memory_space<vmem>> -> memref<1x200x64xf32, #tpu.memory_space<vmem>>
        %dma_wait3A_72 = tpu.memref_squeeze %dma_wait3A_71 : memref<1x200x64xf32, #tpu.memory_space<vmem>> -> memref<200x64xf32, #tpu.memory_space<vmem>>
        tpu.wait_dma2 semaphore(%dma_wait3A_64 : memref<!tpu.dma_semaphore, #tpu.memory_space<semaphore_mem>>) src(%dma_wait3A_72 : memref<200x64xf32, #tpu.memory_space<vmem>>) dst(%dma_wait3A_68 : memref<200x64xf32, #tpu.memory_space<hbm>>)
      } else {
      }
      %lt3A_13 = arith.constant 128 : i32
      %lt3A_14 = arith.cmpi slt, %scan3A_8, %lt3A_13 : i32
      %convert_element_type3A_15 = arith.extui %lt3A_14 : i1 to i32
      %cond3A_16 = arith.constant 0 : i32
      %cond3A_17 = arith.cmpi ne, %convert_element_type3A_15, %cond3A_16 : i32
      scf.if %cond3A_17 {
        %jit3A = arith.constant 6 : i32
        %eq3A = arith.constant 0 : i32
        %eq3A_28 = arith.cmpi eq, %jit3A, %eq3A : i32
        %jit3A_29 = arith.constant 1 : i32
        %select_n3A = arith.select %eq3A_28, %jit3A_29, %jit3A : i32
        %rem3A = arith.remsi %scan3A_8, %select_n3A : i32
        %ne3A = arith.constant 0 : i32
        %ne3A_30 = arith.cmpi ne, %rem3A, %ne3A : i32
        %lt3A_31 = arith.constant 0 : i32
        %lt3A_32 = arith.cmpi slt, %rem3A, %lt3A_31 : i32
        %lt3A_33 = arith.constant 0 : i32
        %lt3A_34 = arith.cmpi slt, %select_n3A, %lt3A_33 : i32
        %ne3A_35 = arith.xori %lt3A_32, %lt3A_34 : i1
        %and3A_36 = arith.andi %ne3A_35, %ne3A_30 : i1
        %add3A_37 = arith.addi %rem3A, %select_n3A : i32
        %select_n3A_38 = arith.select %and3A_36, %add3A_37, %rem3A : i32
        %dma_start3A = arith.constant 0 : i32
        %dma_start3A_39 = arith.constant 0 : i32
        %dma_start3A_40 = tpu.memref_slice %arg6[%select_n3A_38, %dma_start3A, %dma_start3A_39] : memref<6x200x64xf32, #tpu.memory_space<vmem>> -> memref<1x104x64xf32, #tpu.memory_space<vmem>>
        %dma_start3A_41 = tpu.memref_squeeze %dma_start3A_40 : memref<1x104x64xf32, #tpu.memory_space<vmem>> -> memref<104x64xf32, #tpu.memory_space<vmem>>
        %dma_start3A_42 = arith.constant 0 : i32
        %dma_start3A_43 = tpu.memref_slice %arg5[%scan3A_8, %dma_start3A_42] : memref<128x200xi32, #tpu.memory_space<vmem>> -> memref<1x104xi32, #tpu.memory_space<vmem>>
        %dma_start3A_44 = tpu.memref_squeeze %dma_start3A_43 : memref<1x104xi32, #tpu.memory_space<vmem>> -> memref<104xi32, #tpu.memory_space<vmem>>
        %dma_start3A_45 = arith.constant 0 : i32
        %dma_start3A_46 = arith.constant 0 : i32
        %dma_start3A_47 = tpu.memref_slice %arg3[%dma_start3A_45, %dma_start3A_46] : memref<1000000x64xf32, #tpu.memory_space<hbm>> -> memref<1000000x64xf32, #tpu.memory_space<hbm>>
        %dma_start3A_48 = tpu.memref_slice %arg7[%select_n3A_38] : memref<6x!tpu.dma_semaphore, #tpu.memory_space<semaphore_mem>> -> memref<1x!tpu.dma_semaphore, #tpu.memory_space<semaphore_mem>>
        %dma_start3A_49 = tpu.memref_squeeze %dma_start3A_48 : memref<1x!tpu.dma_semaphore, #tpu.memory_space<semaphore_mem>> -> memref<!tpu.dma_semaphore, #tpu.memory_space<semaphore_mem>>
        tpu.enqueue_indirect_dma source(%dma_start3A_47 : memref<1000000x64xf32, #tpu.memory_space<hbm>>) target(%dma_start3A_41 : memref<104x64xf32, #tpu.memory_space<vmem>>) offsets(%dma_start3A_44 : memref<104xi32, #tpu.memory_space<vmem>>) semaphore(%dma_start3A_49 : memref<!tpu.dma_semaphore, #tpu.memory_space<semaphore_mem>>)
        %dma_start3A_50 = arith.constant 104 : i32
        %dma_start3A_51 = arith.constant 0 : i32
        %dma_start3A_52 = tpu.memref_slice %arg6[%select_n3A_38, %dma_start3A_50, %dma_start3A_51] : memref<6x200x64xf32, #tpu.memory_space<vmem>> -> memref<1x96x64xf32, #tpu.memory_space<vmem>>
        %dma_start3A_53 = tpu.memref_squeeze %dma_start3A_52 : memref<1x96x64xf32, #tpu.memory_space<vmem>> -> memref<96x64xf32, #tpu.memory_space<vmem>>
        %dma_start3A_54 = arith.constant 104 : i32
        %dma_start3A_55 = tpu.memref_slice %arg5[%scan3A_8, %dma_start3A_54] : memref<128x200xi32, #tpu.memory_space<vmem>> -> memref<1x96xi32, #tpu.memory_space<vmem>>
        %dma_start3A_56 = tpu.memref_squeeze %dma_start3A_55 : memref<1x96xi32, #tpu.memory_space<vmem>> -> memref<96xi32, #tpu.memory_space<vmem>>
        %dma_start3A_57 = arith.constant 0 : i32
        %dma_start3A_58 = arith.constant 0 : i32
        %dma_start3A_59 = tpu.memref_slice %arg3[%dma_start3A_57, %dma_start3A_58] : memref<1000000x64xf32, #tpu.memory_space<hbm>> -> memref<1000000x64xf32, #tpu.memory_space<hbm>>
        %dma_start3A_60 = tpu.memref_slice %arg7[%select_n3A_38] : memref<6x!tpu.dma_semaphore, #tpu.memory_space<semaphore_mem>> -> memref<1x!tpu.dma_semaphore, #tpu.memory_space<semaphore_mem>>
        %dma_start3A_61 = tpu.memref_squeeze %dma_start3A_60 : memref<1x!tpu.dma_semaphore, #tpu.memory_space<semaphore_mem>> -> memref<!tpu.dma_semaphore, #tpu.memory_space<semaphore_mem>>
        tpu.enqueue_indirect_dma source(%dma_start3A_59 : memref<1000000x64xf32, #tpu.memory_space<hbm>>) target(%dma_start3A_53 : memref<96x64xf32, #tpu.memory_space<vmem>>) offsets(%dma_start3A_56 : memref<96xi32, #tpu.memory_space<vmem>>) semaphore(%dma_start3A_61 : memref<!tpu.dma_semaphore, #tpu.memory_space<semaphore_mem>>)
      } else {
      }
      %sub3A_18 = arith.constant 3 : i32
      %sub3A_19 = arith.subi %scan3A_8, %sub3A_18 : i32
      %ge3A_20 = arith.constant 0 : i32
      %ge3A_21 = arith.cmpi sge, %sub3A_19, %ge3A_20 : i32
      %lt3A_22 = arith.constant 128 : i32
      %lt3A_23 = arith.cmpi slt, %sub3A_19, %lt3A_22 : i32
      %and3A_24 = arith.andi %ge3A_21, %lt3A_23 : i1
      %convert_element_type3A_25 = arith.extui %and3A_24 : i1 to i32
      %cond3A_26 = arith.constant 0 : i32
      %cond3A_27 = arith.cmpi ne, %convert_element_type3A_25, %cond3A_26 : i32
      scf.if %cond3A_27 {
        %jit3A = arith.constant 6 : i32
        %eq3A = arith.constant 0 : i32
        %eq3A_28 = arith.cmpi eq, %jit3A, %eq3A : i32
        %jit3A_29 = arith.constant 1 : i32
        %select_n3A = arith.select %eq3A_28, %jit3A_29, %jit3A : i32
        %rem3A = arith.remsi %sub3A_19, %select_n3A : i32
        %ne3A = arith.constant 0 : i32
        %ne3A_30 = arith.cmpi ne, %rem3A, %ne3A : i32
        %lt3A_31 = arith.constant 0 : i32
        %lt3A_32 = arith.cmpi slt, %rem3A, %lt3A_31 : i32
        %lt3A_33 = arith.constant 0 : i32
        %lt3A_34 = arith.cmpi slt, %select_n3A, %lt3A_33 : i32
        %ne3A_35 = arith.xori %lt3A_32, %lt3A_34 : i1
        %and3A_36 = arith.andi %ne3A_35, %ne3A_30 : i1
        %add3A_37 = arith.addi %rem3A, %select_n3A : i32
        %select_n3A_38 = arith.select %and3A_36, %add3A_37, %rem3A : i32
        %dma_wait3A = arith.constant 0 : i32
        %dma_wait3A_39 = arith.constant 0 : i32
        %dma_wait3A_40 = tpu.memref_slice %arg6[%select_n3A_38, %dma_wait3A, %dma_wait3A_39] : memref<6x200x64xf32, #tpu.memory_space<vmem>> -> memref<1x104x64xf32, #tpu.memory_space<vmem>>
        %dma_wait3A_41 = tpu.memref_squeeze %dma_wait3A_40 : memref<1x104x64xf32, #tpu.memory_space<vmem>> -> memref<104x64xf32, #tpu.memory_space<vmem>>
        %dma_wait3A_42 = arith.constant 0 : i32
        %dma_wait3A_43 = tpu.memref_slice %arg5[%sub3A_19, %dma_wait3A_42] : memref<128x200xi32, #tpu.memory_space<vmem>> -> memref<1x104xi32, #tpu.memory_space<vmem>>
        %dma_wait3A_44 = tpu.memref_squeeze %dma_wait3A_43 : memref<1x104xi32, #tpu.memory_space<vmem>> -> memref<104xi32, #tpu.memory_space<vmem>>
        %dma_wait3A_45 = arith.constant 0 : i32
        %dma_wait3A_46 = arith.constant 0 : i32
        %dma_wait3A_47 = tpu.memref_slice %arg3[%dma_wait3A_45, %dma_wait3A_46] : memref<1000000x64xf32, #tpu.memory_space<hbm>> -> memref<1000000x64xf32, #tpu.memory_space<hbm>>
        %dma_wait3A_48 = tpu.memref_slice %arg7[%select_n3A_38] : memref<6x!tpu.dma_semaphore, #tpu.memory_space<semaphore_mem>> -> memref<1x!tpu.dma_semaphore, #tpu.memory_space<semaphore_mem>>
        %dma_wait3A_49 = tpu.memref_squeeze %dma_wait3A_48 : memref<1x!tpu.dma_semaphore, #tpu.memory_space<semaphore_mem>> -> memref<!tpu.dma_semaphore, #tpu.memory_space<semaphore_mem>>
        tpu.wait_indirect_dma semaphore(%dma_wait3A_49 : memref<!tpu.dma_semaphore, #tpu.memory_space<semaphore_mem>>) src(%dma_wait3A_47 : memref<1000000x64xf32, #tpu.memory_space<hbm>>) dst(%dma_wait3A_41 : memref<104x64xf32, #tpu.memory_space<vmem>>)
        %dma_wait3A_50 = arith.constant 104 : i32
        %dma_wait3A_51 = arith.constant 0 : i32
        %dma_wait3A_52 = tpu.memref_slice %arg6[%select_n3A_38, %dma_wait3A_50, %dma_wait3A_51] : memref<6x200x64xf32, #tpu.memory_space<vmem>> -> memref<1x96x64xf32, #tpu.memory_space<vmem>>
        %dma_wait3A_53 = tpu.memref_squeeze %dma_wait3A_52 : memref<1x96x64xf32, #tpu.memory_space<vmem>> -> memref<96x64xf32, #tpu.memory_space<vmem>>
        %dma_wait3A_54 = arith.constant 104 : i32
        %dma_wait3A_55 = tpu.memref_slice %arg5[%sub3A_19, %dma_wait3A_54] : memref<128x200xi32, #tpu.memory_space<vmem>> -> memref<1x96xi32, #tpu.memory_space<vmem>>
        %dma_wait3A_56 = tpu.memref_squeeze %dma_wait3A_55 : memref<1x96xi32, #tpu.memory_space<vmem>> -> memref<96xi32, #tpu.memory_space<vmem>>
        %dma_wait3A_57 = arith.constant 0 : i32
        %dma_wait3A_58 = arith.constant 0 : i32
        %dma_wait3A_59 = tpu.memref_slice %arg3[%dma_wait3A_57, %dma_wait3A_58] : memref<1000000x64xf32, #tpu.memory_space<hbm>> -> memref<1000000x64xf32, #tpu.memory_space<hbm>>
        %dma_wait3A_60 = tpu.memref_slice %arg7[%select_n3A_38] : memref<6x!tpu.dma_semaphore, #tpu.memory_space<semaphore_mem>> -> memref<1x!tpu.dma_semaphore, #tpu.memory_space<semaphore_mem>>
        %dma_wait3A_61 = tpu.memref_squeeze %dma_wait3A_60 : memref<1x!tpu.dma_semaphore, #tpu.memory_space<semaphore_mem>> -> memref<!tpu.dma_semaphore, #tpu.memory_space<semaphore_mem>>
        tpu.wait_indirect_dma semaphore(%dma_wait3A_61 : memref<!tpu.dma_semaphore, #tpu.memory_space<semaphore_mem>>) src(%dma_wait3A_59 : memref<1000000x64xf32, #tpu.memory_space<hbm>>) dst(%dma_wait3A_53 : memref<96x64xf32, #tpu.memory_space<vmem>>)
        %get3A = arith.index_cast %sub3A_19 : i32 to index
        %get3A_62 = arith.constant 0 : index
        %get3A_63 = tpu.vector_load %arg5[%get3A, %get3A_62] {strides = array<i32>} : memref<128x200xi32, #tpu.memory_space<vmem>>, vector<16xi32>,
        %eq3A_64 = arith.constant 0 : i32
        %eq3A_65 = vector.broadcast %eq3A_64 : i32 to vector<16xi32>
        %eq3A_66 = arith.cmpi eq, %get3A_63, %eq3A_65 : vector<16xi32>
        %all_reduce_population_count3A = tpu.all_reduce %eq3A_66 {dim = 0 : i64, kind = #tpu.reduction_kind<sum>} : vector<16xi1> -> vector<16xi32>
        %slice3A = vector.extract_strided_slice %all_reduce_population_count3A {offsets = [0], sizes = [1], strides = [1]} : vector<16xi32> to vector<1xi32>
        %squeeze3A = vector.extract %slice3A[0] : i32 from vector<1xi32>
        %gt3A = arith.constant 0 : i32
        %gt3A_67 = arith.cmpi sgt, %squeeze3A, %gt3A : i32
        %convert_element_type3A_68 = arith.extui %gt3A_67 : i1 to i32
        %cond3A_69 = arith.constant 0 : i32
        %cond3A_70 = arith.cmpi ne, %convert_element_type3A_68, %cond3A_69 : i32
        scf.if %cond3A_70 {
          %iota3A = tpu.iota {dimensions = array<i32: 0>} : vector<16xi32>
          %add3A_257 = arith.constant 0 : i32
          %add3A_258 = vector.broadcast %add3A_257 : i32 to vector<16xi32>
          %add3A_259 = arith.addi %add3A_258, %iota3A : vector<16xi32>
          %broadcast_in_dim3A = arith.constant 0.000000e+00 : f32
          %broadcast_in_dim3A_260 = vector.broadcast %broadcast_in_dim3A : f32 to vector<16xf32>
          %scan3A_261 = arith.constant 0 : i32
          %scan3A_262 = arith.constant 0 : i32
          %scan3A_263 = arith.constant 64 : i32
          %scan3A_264 = arith.addi %scan3A_262, %scan3A_263 : i32
          %scan3A_265 = arith.constant 1 : i32
          scf.for %scan3A_267 = %scan3A_262 to %scan3A_264 step %scan3A_265  : i32 {
            %broadcast_in_dim3A_268 = vector.broadcast %scan3A_267 : i32 to vector<16xi32>
            %scatter3A = arith.constant 0 : i32
            %scatter3A_269 = arith.constant 0 : i32
            %scatter3A_270 = tpu.memref_slice %arg6[%select_n3A_38, %scatter3A, %scatter3A_269] : memref<6x200x64xf32, #tpu.memory_space<vmem>> -> memref<1x200x64xf32, #tpu.memory_space<vmem>>
            %scatter3A_271 = tpu.memref_squeeze %scatter3A_270 : memref<1x200x64xf32, #tpu.memory_space<vmem>> -> memref<200x64xf32, #tpu.memory_space<vmem>>
            tpu.vector_store_idx %scatter3A_271[%add3A_259, %broadcast_in_dim3A_268], %broadcast_in_dim3A_260 masked %eq3A_66 : memref<200x64xf32, #tpu.memory_space<vmem>>[vector<16xi32>, vector<16xi32>], vector<16xf32>, vector<16xi1>
          }
          %scan3A_266 = arith.constant 64 : i32
        } else {
        }
        %get3A_71 = arith.index_cast %sub3A_19 : i32 to index
        %get3A_72 = arith.constant 16 : index
        %get3A_73 = tpu.vector_load %arg5[%get3A_71, %get3A_72] {strides = array<i32>} : memref<128x200xi32, #tpu.memory_space<vmem>>, vector<16xi32>,
        %eq3A_74 = arith.constant 0 : i32
        %eq3A_75 = vector.broadcast %eq3A_74 : i32 to vector<16xi32>
        %eq3A_76 = arith.cmpi eq, %get3A_73, %eq3A_75 : vector<16xi32>
        %all_reduce_population_count3A_77 = tpu.all_reduce %eq3A_76 {dim = 0 : i64, kind = #tpu.reduction_kind<sum>} : vector<16xi1> -> vector<16xi32>
        %slice3A_78 = vector.extract_strided_slice %all_reduce_population_count3A_77 {offsets = [0], sizes = [1], strides = [1]} : vector<16xi32> to vector<1xi32>
        %squeeze3A_79 = vector.extract %slice3A_78[0] : i32 from vector<1xi32>
        %gt3A_80 = arith.constant 0 : i32
        %gt3A_81 = arith.cmpi sgt, %squeeze3A_79, %gt3A_80 : i32
        %convert_element_type3A_82 = arith.extui %gt3A_81 : i1 to i32
        %cond3A_83 = arith.constant 0 : i32
        %cond3A_84 = arith.cmpi ne, %convert_element_type3A_82, %cond3A_83 : i32
        scf.if %cond3A_84 {
          %iota3A = tpu.iota {dimensions = array<i32: 0>} : vector<16xi32>
          %add3A_257 = arith.constant 16 : i32
          %add3A_258 = vector.broadcast %add3A_257 : i32 to vector<16xi32>
          %add3A_259 = arith.addi %add3A_258, %iota3A : vector<16xi32>
          %broadcast_in_dim3A = arith.constant 0.000000e+00 : f32
          %broadcast_in_dim3A_260 = vector.broadcast %broadcast_in_dim3A : f32 to vector<16xf32>
          %scan3A_261 = arith.constant 0 : i32
          %scan3A_262 = arith.constant 0 : i32
          %scan3A_263 = arith.constant 64 : i32
          %scan3A_264 = arith.addi %scan3A_262, %scan3A_263 : i32
          %scan3A_265 = arith.constant 1 : i32
          scf.for %scan3A_267 = %scan3A_262 to %scan3A_264 step %scan3A_265  : i32 {
            %broadcast_in_dim3A_268 = vector.broadcast %scan3A_267 : i32 to vector<16xi32>
            %scatter3A = arith.constant 0 : i32
            %scatter3A_269 = arith.constant 0 : i32
            %scatter3A_270 = tpu.memref_slice %arg6[%select_n3A_38, %scatter3A, %scatter3A_269] : memref<6x200x64xf32, #tpu.memory_space<vmem>> -> memref<1x200x64xf32, #tpu.memory_space<vmem>>
            %scatter3A_271 = tpu.memref_squeeze %scatter3A_270 : memref<1x200x64xf32, #tpu.memory_space<vmem>> -> memref<200x64xf32, #tpu.memory_space<vmem>>
            tpu.vector_store_idx %scatter3A_271[%add3A_259, %broadcast_in_dim3A_268], %broadcast_in_dim3A_260 masked %eq3A_76 : memref<200x64xf32, #tpu.memory_space<vmem>>[vector<16xi32>, vector<16xi32>], vector<16xf32>, vector<16xi1>
          }
          %scan3A_266 = arith.constant 64 : i32
        } else {
        }
        %get3A_85 = arith.index_cast %sub3A_19 : i32 to index
        %get3A_86 = arith.constant 32 : index
        %get3A_87 = tpu.vector_load %arg5[%get3A_85, %get3A_86] {strides = array<i32>} : memref<128x200xi32, #tpu.memory_space<vmem>>, vector<16xi32>,
        %eq3A_88 = arith.constant 0 : i32
        %eq3A_89 = vector.broadcast %eq3A_88 : i32 to vector<16xi32>
        %eq3A_90 = arith.cmpi eq, %get3A_87, %eq3A_89 : vector<16xi32>
        %all_reduce_population_count3A_91 = tpu.all_reduce %eq3A_90 {dim = 0 : i64, kind = #tpu.reduction_kind<sum>} : vector<16xi1> -> vector<16xi32>
        %slice3A_92 = vector.extract_strided_slice %all_reduce_population_count3A_91 {offsets = [0], sizes = [1], strides = [1]} : vector<16xi32> to vector<1xi32>
        %squeeze3A_93 = vector.extract %slice3A_92[0] : i32 from vector<1xi32>
        %gt3A_94 = arith.constant 0 : i32
        %gt3A_95 = arith.cmpi sgt, %squeeze3A_93, %gt3A_94 : i32
        %convert_element_type3A_96 = arith.extui %gt3A_95 : i1 to i32
        %cond3A_97 = arith.constant 0 : i32
        %cond3A_98 = arith.cmpi ne, %convert_element_type3A_96, %cond3A_97 : i32
        scf.if %cond3A_98 {
          %iota3A = tpu.iota {dimensions = array<i32: 0>} : vector<16xi32>
          %add3A_257 = arith.constant 32 : i32
          %add3A_258 = vector.broadcast %add3A_257 : i32 to vector<16xi32>
          %add3A_259 = arith.addi %add3A_258, %iota3A : vector<16xi32>
          %broadcast_in_dim3A = arith.constant 0.000000e+00 : f32
          %broadcast_in_dim3A_260 = vector.broadcast %broadcast_in_dim3A : f32 to vector<16xf32>
          %scan3A_261 = arith.constant 0 : i32
          %scan3A_262 = arith.constant 0 : i32
          %scan3A_263 = arith.constant 64 : i32
          %scan3A_264 = arith.addi %scan3A_262, %scan3A_263 : i32
          %scan3A_265 = arith.constant 1 : i32
          scf.for %scan3A_267 = %scan3A_262 to %scan3A_264 step %scan3A_265  : i32 {
            %broadcast_in_dim3A_268 = vector.broadcast %scan3A_267 : i32 to vector<16xi32>
            %scatter3A = arith.constant 0 : i32
            %scatter3A_269 = arith.constant 0 : i32
            %scatter3A_270 = tpu.memref_slice %arg6[%select_n3A_38, %scatter3A, %scatter3A_269] : memref<6x200x64xf32, #tpu.memory_space<vmem>> -> memref<1x200x64xf32, #tpu.memory_space<vmem>>
            %scatter3A_271 = tpu.memref_squeeze %scatter3A_270 : memref<1x200x64xf32, #tpu.memory_space<vmem>> -> memref<200x64xf32, #tpu.memory_space<vmem>>
            tpu.vector_store_idx %scatter3A_271[%add3A_259, %broadcast_in_dim3A_268], %broadcast_in_dim3A_260 masked %eq3A_90 : memref<200x64xf32, #tpu.memory_space<vmem>>[vector<16xi32>, vector<16xi32>], vector<16xf32>, vector<16xi1>
          }
          %scan3A_266 = arith.constant 64 : i32
        } else {
        }
        %get3A_99 = arith.index_cast %sub3A_19 : i32 to index
        %get3A_100 = arith.constant 48 : index
        %get3A_101 = tpu.vector_load %arg5[%get3A_99, %get3A_100] {strides = array<i32>} : memref<128x200xi32, #tpu.memory_space<vmem>>, vector<16xi32>,
        %eq3A_102 = arith.constant 0 : i32
        %eq3A_103 = vector.broadcast %eq3A_102 : i32 to vector<16xi32>
        %eq3A_104 = arith.cmpi eq, %get3A_101, %eq3A_103 : vector<16xi32>
        %all_reduce_population_count3A_105 = tpu.all_reduce %eq3A_104 {dim = 0 : i64, kind = #tpu.reduction_kind<sum>} : vector<16xi1> -> vector<16xi32>
        %slice3A_106 = vector.extract_strided_slice %all_reduce_population_count3A_105 {offsets = [0], sizes = [1], strides = [1]} : vector<16xi32> to vector<1xi32>
        %squeeze3A_107 = vector.extract %slice3A_106[0] : i32 from vector<1xi32>
        %gt3A_108 = arith.constant 0 : i32
        %gt3A_109 = arith.cmpi sgt, %squeeze3A_107, %gt3A_108 : i32
        %convert_element_type3A_110 = arith.extui %gt3A_109 : i1 to i32
        %cond3A_111 = arith.constant 0 : i32
        %cond3A_112 = arith.cmpi ne, %convert_element_type3A_110, %cond3A_111 : i32
        scf.if %cond3A_112 {
          %iota3A = tpu.iota {dimensions = array<i32: 0>} : vector<16xi32>
          %add3A_257 = arith.constant 48 : i32
          %add3A_258 = vector.broadcast %add3A_257 : i32 to vector<16xi32>
          %add3A_259 = arith.addi %add3A_258, %iota3A : vector<16xi32>
          %broadcast_in_dim3A = arith.constant 0.000000e+00 : f32
          %broadcast_in_dim3A_260 = vector.broadcast %broadcast_in_dim3A : f32 to vector<16xf32>
          %scan3A_261 = arith.constant 0 : i32
          %scan3A_262 = arith.constant 0 : i32
          %scan3A_263 = arith.constant 64 : i32
          %scan3A_264 = arith.addi %scan3A_262, %scan3A_263 : i32
          %scan3A_265 = arith.constant 1 : i32
          scf.for %scan3A_267 = %scan3A_262 to %scan3A_264 step %scan3A_265  : i32 {
            %broadcast_in_dim3A_268 = vector.broadcast %scan3A_267 : i32 to vector<16xi32>
            %scatter3A = arith.constant 0 : i32
            %scatter3A_269 = arith.constant 0 : i32
            %scatter3A_270 = tpu.memref_slice %arg6[%select_n3A_38, %scatter3A, %scatter3A_269] : memref<6x200x64xf32, #tpu.memory_space<vmem>> -> memref<1x200x64xf32, #tpu.memory_space<vmem>>
            %scatter3A_271 = tpu.memref_squeeze %scatter3A_270 : memref<1x200x64xf32, #tpu.memory_space<vmem>> -> memref<200x64xf32, #tpu.memory_space<vmem>>
            tpu.vector_store_idx %scatter3A_271[%add3A_259, %broadcast_in_dim3A_268], %broadcast_in_dim3A_260 masked %eq3A_104 : memref<200x64xf32, #tpu.memory_space<vmem>>[vector<16xi32>, vector<16xi32>], vector<16xf32>, vector<16xi1>
          }
          %scan3A_266 = arith.constant 64 : i32
        } else {
        }
        %get3A_113 = arith.index_cast %sub3A_19 : i32 to index
        %get3A_114 = arith.constant 64 : index
        %get3A_115 = tpu.vector_load %arg5[%get3A_113, %get3A_114] {strides = array<i32>} : memref<128x200xi32, #tpu.memory_space<vmem>>, vector<16xi32>,
        %eq3A_116 = arith.constant 0 : i32
        %eq3A_117 = vector.broadcast %eq3A_116 : i32 to vector<16xi32>
        %eq3A_118 = arith.cmpi eq, %get3A_115, %eq3A_117 : vector<16xi32>
        %all_reduce_population_count3A_119 = tpu.all_reduce %eq3A_118 {dim = 0 : i64, kind = #tpu.reduction_kind<sum>} : vector<16xi1> -> vector<16xi32>
        %slice3A_120 = vector.extract_strided_slice %all_reduce_population_count3A_119 {offsets = [0], sizes = [1], strides = [1]} : vector<16xi32> to vector<1xi32>
        %squeeze3A_121 = vector.extract %slice3A_120[0] : i32 from vector<1xi32>
        %gt3A_122 = arith.constant 0 : i32
        %gt3A_123 = arith.cmpi sgt, %squeeze3A_121, %gt3A_122 : i32
        %convert_element_type3A_124 = arith.extui %gt3A_123 : i1 to i32
        %cond3A_125 = arith.constant 0 : i32
        %cond3A_126 = arith.cmpi ne, %convert_element_type3A_124, %cond3A_125 : i32
        scf.if %cond3A_126 {
          %iota3A = tpu.iota {dimensions = array<i32: 0>} : vector<16xi32>
          %add3A_257 = arith.constant 64 : i32
          %add3A_258 = vector.broadcast %add3A_257 : i32 to vector<16xi32>
          %add3A_259 = arith.addi %add3A_258, %iota3A : vector<16xi32>
          %broadcast_in_dim3A = arith.constant 0.000000e+00 : f32
          %broadcast_in_dim3A_260 = vector.broadcast %broadcast_in_dim3A : f32 to vector<16xf32>
          %scan3A_261 = arith.constant 0 : i32
          %scan3A_262 = arith.constant 0 : i32
          %scan3A_263 = arith.constant 64 : i32
          %scan3A_264 = arith.addi %scan3A_262, %scan3A_263 : i32
          %scan3A_265 = arith.constant 1 : i32
          scf.for %scan3A_267 = %scan3A_262 to %scan3A_264 step %scan3A_265  : i32 {
            %broadcast_in_dim3A_268 = vector.broadcast %scan3A_267 : i32 to vector<16xi32>
            %scatter3A = arith.constant 0 : i32
            %scatter3A_269 = arith.constant 0 : i32
            %scatter3A_270 = tpu.memref_slice %arg6[%select_n3A_38, %scatter3A, %scatter3A_269] : memref<6x200x64xf32, #tpu.memory_space<vmem>> -> memref<1x200x64xf32, #tpu.memory_space<vmem>>
            %scatter3A_271 = tpu.memref_squeeze %scatter3A_270 : memref<1x200x64xf32, #tpu.memory_space<vmem>> -> memref<200x64xf32, #tpu.memory_space<vmem>>
            tpu.vector_store_idx %scatter3A_271[%add3A_259, %broadcast_in_dim3A_268], %broadcast_in_dim3A_260 masked %eq3A_118 : memref<200x64xf32, #tpu.memory_space<vmem>>[vector<16xi32>, vector<16xi32>], vector<16xf32>, vector<16xi1>
          }
          %scan3A_266 = arith.constant 64 : i32
        } else {
        }
        %get3A_127 = arith.index_cast %sub3A_19 : i32 to index
        %get3A_128 = arith.constant 80 : index
        %get3A_129 = tpu.vector_load %arg5[%get3A_127, %get3A_128] {strides = array<i32>} : memref<128x200xi32, #tpu.memory_space<vmem>>, vector<16xi32>,
        %eq3A_130 = arith.constant 0 : i32
        %eq3A_131 = vector.broadcast %eq3A_130 : i32 to vector<16xi32>
        %eq3A_132 = arith.cmpi eq, %get3A_129, %eq3A_131 : vector<16xi32>
        %all_reduce_population_count3A_133 = tpu.all_reduce %eq3A_132 {dim = 0 : i64, kind = #tpu.reduction_kind<sum>} : vector<16xi1> -> vector<16xi32>
        %slice3A_134 = vector.extract_strided_slice %all_reduce_population_count3A_133 {offsets = [0], sizes = [1], strides = [1]} : vector<16xi32> to vector<1xi32>
        %squeeze3A_135 = vector.extract %slice3A_134[0] : i32 from vector<1xi32>
        %gt3A_136 = arith.constant 0 : i32
        %gt3A_137 = arith.cmpi sgt, %squeeze3A_135, %gt3A_136 : i32
        %convert_element_type3A_138 = arith.extui %gt3A_137 : i1 to i32
        %cond3A_139 = arith.constant 0 : i32
        %cond3A_140 = arith.cmpi ne, %convert_element_type3A_138, %cond3A_139 : i32
        scf.if %cond3A_140 {
          %iota3A = tpu.iota {dimensions = array<i32: 0>} : vector<16xi32>
          %add3A_257 = arith.constant 80 : i32
          %add3A_258 = vector.broadcast %add3A_257 : i32 to vector<16xi32>
          %add3A_259 = arith.addi %add3A_258, %iota3A : vector<16xi32>
          %broadcast_in_dim3A = arith.constant 0.000000e+00 : f32
          %broadcast_in_dim3A_260 = vector.broadcast %broadcast_in_dim3A : f32 to vector<16xf32>
          %scan3A_261 = arith.constant 0 : i32
          %scan3A_262 = arith.constant 0 : i32
          %scan3A_263 = arith.constant 64 : i32
          %scan3A_264 = arith.addi %scan3A_262, %scan3A_263 : i32
          %scan3A_265 = arith.constant 1 : i32
          scf.for %scan3A_267 = %scan3A_262 to %scan3A_264 step %scan3A_265  : i32 {
            %broadcast_in_dim3A_268 = vector.broadcast %scan3A_267 : i32 to vector<16xi32>
            %scatter3A = arith.constant 0 : i32
            %scatter3A_269 = arith.constant 0 : i32
            %scatter3A_270 = tpu.memref_slice %arg6[%select_n3A_38, %scatter3A, %scatter3A_269] : memref<6x200x64xf32, #tpu.memory_space<vmem>> -> memref<1x200x64xf32, #tpu.memory_space<vmem>>
            %scatter3A_271 = tpu.memref_squeeze %scatter3A_270 : memref<1x200x64xf32, #tpu.memory_space<vmem>> -> memref<200x64xf32, #tpu.memory_space<vmem>>
            tpu.vector_store_idx %scatter3A_271[%add3A_259, %broadcast_in_dim3A_268], %broadcast_in_dim3A_260 masked %eq3A_132 : memref<200x64xf32, #tpu.memory_space<vmem>>[vector<16xi32>, vector<16xi32>], vector<16xf32>, vector<16xi1>
          }
          %scan3A_266 = arith.constant 64 : i32
        } else {
        }
        %get3A_141 = arith.index_cast %sub3A_19 : i32 to index
        %get3A_142 = arith.constant 96 : index
        %get3A_143 = tpu.vector_load %arg5[%get3A_141, %get3A_142] {strides = array<i32>} : memref<128x200xi32, #tpu.memory_space<vmem>>, vector<16xi32>,
        %eq3A_144 = arith.constant 0 : i32
        %eq3A_145 = vector.broadcast %eq3A_144 : i32 to vector<16xi32>
        %eq3A_146 = arith.cmpi eq, %get3A_143, %eq3A_145 : vector<16xi32>
        %all_reduce_population_count3A_147 = tpu.all_reduce %eq3A_146 {dim = 0 : i64, kind = #tpu.reduction_kind<sum>} : vector<16xi1> -> vector<16xi32>
        %slice3A_148 = vector.extract_strided_slice %all_reduce_population_count3A_147 {offsets = [0], sizes = [1], strides = [1]} : vector<16xi32> to vector<1xi32>
        %squeeze3A_149 = vector.extract %slice3A_148[0] : i32 from vector<1xi32>
        %gt3A_150 = arith.constant 0 : i32
        %gt3A_151 = arith.cmpi sgt, %squeeze3A_149, %gt3A_150 : i32
        %convert_element_type3A_152 = arith.extui %gt3A_151 : i1 to i32
        %cond3A_153 = arith.constant 0 : i32
        %cond3A_154 = arith.cmpi ne, %convert_element_type3A_152, %cond3A_153 : i32
        scf.if %cond3A_154 {
          %iota3A = tpu.iota {dimensions = array<i32: 0>} : vector<16xi32>
          %add3A_257 = arith.constant 96 : i32
          %add3A_258 = vector.broadcast %add3A_257 : i32 to vector<16xi32>
          %add3A_259 = arith.addi %add3A_258, %iota3A : vector<16xi32>
          %broadcast_in_dim3A = arith.constant 0.000000e+00 : f32
          %broadcast_in_dim3A_260 = vector.broadcast %broadcast_in_dim3A : f32 to vector<16xf32>
          %scan3A_261 = arith.constant 0 : i32
          %scan3A_262 = arith.constant 0 : i32
          %scan3A_263 = arith.constant 64 : i32
          %scan3A_264 = arith.addi %scan3A_262, %scan3A_263 : i32
          %scan3A_265 = arith.constant 1 : i32
          scf.for %scan3A_267 = %scan3A_262 to %scan3A_264 step %scan3A_265  : i32 {
            %broadcast_in_dim3A_268 = vector.broadcast %scan3A_267 : i32 to vector<16xi32>
            %scatter3A = arith.constant 0 : i32
            %scatter3A_269 = arith.constant 0 : i32
            %scatter3A_270 = tpu.memref_slice %arg6[%select_n3A_38, %scatter3A, %scatter3A_269] : memref<6x200x64xf32, #tpu.memory_space<vmem>> -> memref<1x200x64xf32, #tpu.memory_space<vmem>>
            %scatter3A_271 = tpu.memref_squeeze %scatter3A_270 : memref<1x200x64xf32, #tpu.memory_space<vmem>> -> memref<200x64xf32, #tpu.memory_space<vmem>>
            tpu.vector_store_idx %scatter3A_271[%add3A_259, %broadcast_in_dim3A_268], %broadcast_in_dim3A_260 masked %eq3A_146 : memref<200x64xf32, #tpu.memory_space<vmem>>[vector<16xi32>, vector<16xi32>], vector<16xf32>, vector<16xi1>
          }
          %scan3A_266 = arith.constant 64 : i32
        } else {
        }
        %get3A_155 = arith.index_cast %sub3A_19 : i32 to index
        %get3A_156 = arith.constant 112 : index
        %get3A_157 = tpu.vector_load %arg5[%get3A_155, %get3A_156] {strides = array<i32>} : memref<128x200xi32, #tpu.memory_space<vmem>>, vector<16xi32>,
        %eq3A_158 = arith.constant 0 : i32
        %eq3A_159 = vector.broadcast %eq3A_158 : i32 to vector<16xi32>
        %eq3A_160 = arith.cmpi eq, %get3A_157, %eq3A_159 : vector<16xi32>
        %all_reduce_population_count3A_161 = tpu.all_reduce %eq3A_160 {dim = 0 : i64, kind = #tpu.reduction_kind<sum>} : vector<16xi1> -> vector<16xi32>
        %slice3A_162 = vector.extract_strided_slice %all_reduce_population_count3A_161 {offsets = [0], sizes = [1], strides = [1]} : vector<16xi32> to vector<1xi32>
        %squeeze3A_163 = vector.extract %slice3A_162[0] : i32 from vector<1xi32>
        %gt3A_164 = arith.constant 0 : i32
        %gt3A_165 = arith.cmpi sgt, %squeeze3A_163, %gt3A_164 : i32
        %convert_element_type3A_166 = arith.extui %gt3A_165 : i1 to i32
        %cond3A_167 = arith.constant 0 : i32
        %cond3A_168 = arith.cmpi ne, %convert_element_type3A_166, %cond3A_167 : i32
        scf.if %cond3A_168 {
          %iota3A = tpu.iota {dimensions = array<i32: 0>} : vector<16xi32>
          %add3A_257 = arith.constant 112 : i32
          %add3A_258 = vector.broadcast %add3A_257 : i32 to vector<16xi32>
          %add3A_259 = arith.addi %add3A_258, %iota3A : vector<16xi32>
          %broadcast_in_dim3A = arith.constant 0.000000e+00 : f32
          %broadcast_in_dim3A_260 = vector.broadcast %broadcast_in_dim3A : f32 to vector<16xf32>
          %scan3A_261 = arith.constant 0 : i32
          %scan3A_262 = arith.constant 0 : i32
          %scan3A_263 = arith.constant 64 : i32
          %scan3A_264 = arith.addi %scan3A_262, %scan3A_263 : i32
          %scan3A_265 = arith.constant 1 : i32
          scf.for %scan3A_267 = %scan3A_262 to %scan3A_264 step %scan3A_265  : i32 {
            %broadcast_in_dim3A_268 = vector.broadcast %scan3A_267 : i32 to vector<16xi32>
            %scatter3A = arith.constant 0 : i32
            %scatter3A_269 = arith.constant 0 : i32
            %scatter3A_270 = tpu.memref_slice %arg6[%select_n3A_38, %scatter3A, %scatter3A_269] : memref<6x200x64xf32, #tpu.memory_space<vmem>> -> memref<1x200x64xf32, #tpu.memory_space<vmem>>
            %scatter3A_271 = tpu.memref_squeeze %scatter3A_270 : memref<1x200x64xf32, #tpu.memory_space<vmem>> -> memref<200x64xf32, #tpu.memory_space<vmem>>
            tpu.vector_store_idx %scatter3A_271[%add3A_259, %broadcast_in_dim3A_268], %broadcast_in_dim3A_260 masked %eq3A_160 : memref<200x64xf32, #tpu.memory_space<vmem>>[vector<16xi32>, vector<16xi32>], vector<16xf32>, vector<16xi1>
          }
          %scan3A_266 = arith.constant 64 : i32
        } else {
        }
        %get3A_169 = arith.index_cast %sub3A_19 : i32 to index
        %get3A_170 = arith.constant 128 : index
        %get3A_171 = tpu.vector_load %arg5[%get3A_169, %get3A_170] {strides = array<i32>} : memref<128x200xi32, #tpu.memory_space<vmem>>, vector<16xi32>,
        %eq3A_172 = arith.constant 0 : i32
        %eq3A_173 = vector.broadcast %eq3A_172 : i32 to vector<16xi32>
        %eq3A_174 = arith.cmpi eq, %get3A_171, %eq3A_173 : vector<16xi32>
        %all_reduce_population_count3A_175 = tpu.all_reduce %eq3A_174 {dim = 0 : i64, kind = #tpu.reduction_kind<sum>} : vector<16xi1> -> vector<16xi32>
        %slice3A_176 = vector.extract_strided_slice %all_reduce_population_count3A_175 {offsets = [0], sizes = [1], strides = [1]} : vector<16xi32> to vector<1xi32>
        %squeeze3A_177 = vector.extract %slice3A_176[0] : i32 from vector<1xi32>
        %gt3A_178 = arith.constant 0 : i32
        %gt3A_179 = arith.cmpi sgt, %squeeze3A_177, %gt3A_178 : i32
        %convert_element_type3A_180 = arith.extui %gt3A_179 : i1 to i32
        %cond3A_181 = arith.constant 0 : i32
        %cond3A_182 = arith.cmpi ne, %convert_element_type3A_180, %cond3A_181 : i32
        scf.if %cond3A_182 {
          %iota3A = tpu.iota {dimensions = array<i32: 0>} : vector<16xi32>
          %add3A_257 = arith.constant 128 : i32
          %add3A_258 = vector.broadcast %add3A_257 : i32 to vector<16xi32>
          %add3A_259 = arith.addi %add3A_258, %iota3A : vector<16xi32>
          %broadcast_in_dim3A = arith.constant 0.000000e+00 : f32
          %broadcast_in_dim3A_260 = vector.broadcast %broadcast_in_dim3A : f32 to vector<16xf32>
          %scan3A_261 = arith.constant 0 : i32
          %scan3A_262 = arith.constant 0 : i32
          %scan3A_263 = arith.constant 64 : i32
          %scan3A_264 = arith.addi %scan3A_262, %scan3A_263 : i32
          %scan3A_265 = arith.constant 1 : i32
          scf.for %scan3A_267 = %scan3A_262 to %scan3A_264 step %scan3A_265  : i32 {
            %broadcast_in_dim3A_268 = vector.broadcast %scan3A_267 : i32 to vector<16xi32>
            %scatter3A = arith.constant 0 : i32
            %scatter3A_269 = arith.constant 0 : i32
            %scatter3A_270 = tpu.memref_slice %arg6[%select_n3A_38, %scatter3A, %scatter3A_269] : memref<6x200x64xf32, #tpu.memory_space<vmem>> -> memref<1x200x64xf32, #tpu.memory_space<vmem>>
            %scatter3A_271 = tpu.memref_squeeze %scatter3A_270 : memref<1x200x64xf32, #tpu.memory_space<vmem>> -> memref<200x64xf32, #tpu.memory_space<vmem>>
            tpu.vector_store_idx %scatter3A_271[%add3A_259, %broadcast_in_dim3A_268], %broadcast_in_dim3A_260 masked %eq3A_174 : memref<200x64xf32, #tpu.memory_space<vmem>>[vector<16xi32>, vector<16xi32>], vector<16xf32>, vector<16xi1>
          }
          %scan3A_266 = arith.constant 64 : i32
        } else {
        }
        %get3A_183 = arith.index_cast %sub3A_19 : i32 to index
        %get3A_184 = arith.constant 144 : index
        %get3A_185 = tpu.vector_load %arg5[%get3A_183, %get3A_184] {strides = array<i32>} : memref<128x200xi32, #tpu.memory_space<vmem>>, vector<16xi32>,
        %eq3A_186 = arith.constant 0 : i32
        %eq3A_187 = vector.broadcast %eq3A_186 : i32 to vector<16xi32>
        %eq3A_188 = arith.cmpi eq, %get3A_185, %eq3A_187 : vector<16xi32>
        %all_reduce_population_count3A_189 = tpu.all_reduce %eq3A_188 {dim = 0 : i64, kind = #tpu.reduction_kind<sum>} : vector<16xi1> -> vector<16xi32>
        %slice3A_190 = vector.extract_strided_slice %all_reduce_population_count3A_189 {offsets = [0], sizes = [1], strides = [1]} : vector<16xi32> to vector<1xi32>
        %squeeze3A_191 = vector.extract %slice3A_190[0] : i32 from vector<1xi32>
        %gt3A_192 = arith.constant 0 : i32
        %gt3A_193 = arith.cmpi sgt, %squeeze3A_191, %gt3A_192 : i32
        %convert_element_type3A_194 = arith.extui %gt3A_193 : i1 to i32
        %cond3A_195 = arith.constant 0 : i32
        %cond3A_196 = arith.cmpi ne, %convert_element_type3A_194, %cond3A_195 : i32
        scf.if %cond3A_196 {
          %iota3A = tpu.iota {dimensions = array<i32: 0>} : vector<16xi32>
          %add3A_257 = arith.constant 144 : i32
          %add3A_258 = vector.broadcast %add3A_257 : i32 to vector<16xi32>
          %add3A_259 = arith.addi %add3A_258, %iota3A : vector<16xi32>
          %broadcast_in_dim3A = arith.constant 0.000000e+00 : f32
          %broadcast_in_dim3A_260 = vector.broadcast %broadcast_in_dim3A : f32 to vector<16xf32>
          %scan3A_261 = arith.constant 0 : i32
          %scan3A_262 = arith.constant 0 : i32
          %scan3A_263 = arith.constant 64 : i32
          %scan3A_264 = arith.addi %scan3A_262, %scan3A_263 : i32
          %scan3A_265 = arith.constant 1 : i32
          scf.for %scan3A_267 = %scan3A_262 to %scan3A_264 step %scan3A_265  : i32 {
            %broadcast_in_dim3A_268 = vector.broadcast %scan3A_267 : i32 to vector<16xi32>
            %scatter3A = arith.constant 0 : i32
            %scatter3A_269 = arith.constant 0 : i32
            %scatter3A_270 = tpu.memref_slice %arg6[%select_n3A_38, %scatter3A, %scatter3A_269] : memref<6x200x64xf32, #tpu.memory_space<vmem>> -> memref<1x200x64xf32, #tpu.memory_space<vmem>>
            %scatter3A_271 = tpu.memref_squeeze %scatter3A_270 : memref<1x200x64xf32, #tpu.memory_space<vmem>> -> memref<200x64xf32, #tpu.memory_space<vmem>>
            tpu.vector_store_idx %scatter3A_271[%add3A_259, %broadcast_in_dim3A_268], %broadcast_in_dim3A_260 masked %eq3A_188 : memref<200x64xf32, #tpu.memory_space<vmem>>[vector<16xi32>, vector<16xi32>], vector<16xf32>, vector<16xi1>
          }
          %scan3A_266 = arith.constant 64 : i32
        } else {
        }
        %get3A_197 = arith.index_cast %sub3A_19 : i32 to index
        %get3A_198 = arith.constant 160 : index
        %get3A_199 = tpu.vector_load %arg5[%get3A_197, %get3A_198] {strides = array<i32>} : memref<128x200xi32, #tpu.memory_space<vmem>>, vector<16xi32>,
        %eq3A_200 = arith.constant 0 : i32
        %eq3A_201 = vector.broadcast %eq3A_200 : i32 to vector<16xi32>
        %eq3A_202 = arith.cmpi eq, %get3A_199, %eq3A_201 : vector<16xi32>
        %all_reduce_population_count3A_203 = tpu.all_reduce %eq3A_202 {dim = 0 : i64, kind = #tpu.reduction_kind<sum>} : vector<16xi1> -> vector<16xi32>
        %slice3A_204 = vector.extract_strided_slice %all_reduce_population_count3A_203 {offsets = [0], sizes = [1], strides = [1]} : vector<16xi32> to vector<1xi32>
        %squeeze3A_205 = vector.extract %slice3A_204[0] : i32 from vector<1xi32>
        %gt3A_206 = arith.constant 0 : i32
        %gt3A_207 = arith.cmpi sgt, %squeeze3A_205, %gt3A_206 : i32
        %convert_element_type3A_208 = arith.extui %gt3A_207 : i1 to i32
        %cond3A_209 = arith.constant 0 : i32
        %cond3A_210 = arith.cmpi ne, %convert_element_type3A_208, %cond3A_209 : i32
        scf.if %cond3A_210 {
          %iota3A = tpu.iota {dimensions = array<i32: 0>} : vector<16xi32>
          %add3A_257 = arith.constant 160 : i32
          %add3A_258 = vector.broadcast %add3A_257 : i32 to vector<16xi32>
          %add3A_259 = arith.addi %add3A_258, %iota3A : vector<16xi32>
          %broadcast_in_dim3A = arith.constant 0.000000e+00 : f32
          %broadcast_in_dim3A_260 = vector.broadcast %broadcast_in_dim3A : f32 to vector<16xf32>
          %scan3A_261 = arith.constant 0 : i32
          %scan3A_262 = arith.constant 0 : i32
          %scan3A_263 = arith.constant 64 : i32
          %scan3A_264 = arith.addi %scan3A_262, %scan3A_263 : i32
          %scan3A_265 = arith.constant 1 : i32
          scf.for %scan3A_267 = %scan3A_262 to %scan3A_264 step %scan3A_265  : i32 {
            %broadcast_in_dim3A_268 = vector.broadcast %scan3A_267 : i32 to vector<16xi32>
            %scatter3A = arith.constant 0 : i32
            %scatter3A_269 = arith.constant 0 : i32
            %scatter3A_270 = tpu.memref_slice %arg6[%select_n3A_38, %scatter3A, %scatter3A_269] : memref<6x200x64xf32, #tpu.memory_space<vmem>> -> memref<1x200x64xf32, #tpu.memory_space<vmem>>
            %scatter3A_271 = tpu.memref_squeeze %scatter3A_270 : memref<1x200x64xf32, #tpu.memory_space<vmem>> -> memref<200x64xf32, #tpu.memory_space<vmem>>
            tpu.vector_store_idx %scatter3A_271[%add3A_259, %broadcast_in_dim3A_268], %broadcast_in_dim3A_260 masked %eq3A_202 : memref<200x64xf32, #tpu.memory_space<vmem>>[vector<16xi32>, vector<16xi32>], vector<16xf32>, vector<16xi1>
          }
          %scan3A_266 = arith.constant 64 : i32
        } else {
        }
        %get3A_211 = arith.index_cast %sub3A_19 : i32 to index
        %get3A_212 = arith.constant 176 : index
        %get3A_213 = tpu.vector_load %arg5[%get3A_211, %get3A_212] {strides = array<i32>} : memref<128x200xi32, #tpu.memory_space<vmem>>, vector<16xi32>,
        %eq3A_214 = arith.constant 0 : i32
        %eq3A_215 = vector.broadcast %eq3A_214 : i32 to vector<16xi32>
        %eq3A_216 = arith.cmpi eq, %get3A_213, %eq3A_215 : vector<16xi32>
        %all_reduce_population_count3A_217 = tpu.all_reduce %eq3A_216 {dim = 0 : i64, kind = #tpu.reduction_kind<sum>} : vector<16xi1> -> vector<16xi32>
        %slice3A_218 = vector.extract_strided_slice %all_reduce_population_count3A_217 {offsets = [0], sizes = [1], strides = [1]} : vector<16xi32> to vector<1xi32>
        %squeeze3A_219 = vector.extract %slice3A_218[0] : i32 from vector<1xi32>
        %gt3A_220 = arith.constant 0 : i32
        %gt3A_221 = arith.cmpi sgt, %squeeze3A_219, %gt3A_220 : i32
        %convert_element_type3A_222 = arith.extui %gt3A_221 : i1 to i32
        %cond3A_223 = arith.constant 0 : i32
        %cond3A_224 = arith.cmpi ne, %convert_element_type3A_222, %cond3A_223 : i32
        scf.if %cond3A_224 {
          %iota3A = tpu.iota {dimensions = array<i32: 0>} : vector<16xi32>
          %add3A_257 = arith.constant 176 : i32
          %add3A_258 = vector.broadcast %add3A_257 : i32 to vector<16xi32>
          %add3A_259 = arith.addi %add3A_258, %iota3A : vector<16xi32>
          %broadcast_in_dim3A = arith.constant 0.000000e+00 : f32
          %broadcast_in_dim3A_260 = vector.broadcast %broadcast_in_dim3A : f32 to vector<16xf32>
          %scan3A_261 = arith.constant 0 : i32
          %scan3A_262 = arith.constant 0 : i32
          %scan3A_263 = arith.constant 64 : i32
          %scan3A_264 = arith.addi %scan3A_262, %scan3A_263 : i32
          %scan3A_265 = arith.constant 1 : i32
          scf.for %scan3A_267 = %scan3A_262 to %scan3A_264 step %scan3A_265  : i32 {
            %broadcast_in_dim3A_268 = vector.broadcast %scan3A_267 : i32 to vector<16xi32>
            %scatter3A = arith.constant 0 : i32
            %scatter3A_269 = arith.constant 0 : i32
            %scatter3A_270 = tpu.memref_slice %arg6[%select_n3A_38, %scatter3A, %scatter3A_269] : memref<6x200x64xf32, #tpu.memory_space<vmem>> -> memref<1x200x64xf32, #tpu.memory_space<vmem>>
            %scatter3A_271 = tpu.memref_squeeze %scatter3A_270 : memref<1x200x64xf32, #tpu.memory_space<vmem>> -> memref<200x64xf32, #tpu.memory_space<vmem>>
            tpu.vector_store_idx %scatter3A_271[%add3A_259, %broadcast_in_dim3A_268], %broadcast_in_dim3A_260 masked %eq3A_216 : memref<200x64xf32, #tpu.memory_space<vmem>>[vector<16xi32>, vector<16xi32>], vector<16xf32>, vector<16xi1>
          }
          %scan3A_266 = arith.constant 64 : i32
        } else {
        }
        %get3A_225 = arith.index_cast %sub3A_19 : i32 to index
        %get3A_226 = arith.constant 184 : index
        %get3A_227 = tpu.vector_load %arg5[%get3A_225, %get3A_226] {strides = array<i32>} : memref<128x200xi32, #tpu.memory_space<vmem>>, vector<16xi32>,
        %eq3A_228 = arith.constant 0 : i32
        %eq3A_229 = vector.broadcast %eq3A_228 : i32 to vector<16xi32>
        %eq3A_230 = arith.cmpi eq, %get3A_227, %eq3A_229 : vector<16xi32>
        %all_reduce_population_count3A_231 = tpu.all_reduce %eq3A_230 {dim = 0 : i64, kind = #tpu.reduction_kind<sum>} : vector<16xi1> -> vector<16xi32>
        %slice3A_232 = vector.extract_strided_slice %all_reduce_population_count3A_231 {offsets = [0], sizes = [1], strides = [1]} : vector<16xi32> to vector<1xi32>
        %squeeze3A_233 = vector.extract %slice3A_232[0] : i32 from vector<1xi32>
        %gt3A_234 = arith.constant 0 : i32
        %gt3A_235 = arith.cmpi sgt, %squeeze3A_233, %gt3A_234 : i32
        %convert_element_type3A_236 = arith.extui %gt3A_235 : i1 to i32
        %cond3A_237 = arith.constant 0 : i32
        %cond3A_238 = arith.cmpi ne, %convert_element_type3A_236, %cond3A_237 : i32
        scf.if %cond3A_238 {
          %iota3A = tpu.iota {dimensions = array<i32: 0>} : vector<16xi32>
          %add3A_257 = arith.constant 184 : i32
          %add3A_258 = vector.broadcast %add3A_257 : i32 to vector<16xi32>
          %add3A_259 = arith.addi %add3A_258, %iota3A : vector<16xi32>
          %broadcast_in_dim3A = arith.constant 0.000000e+00 : f32
          %broadcast_in_dim3A_260 = vector.broadcast %broadcast_in_dim3A : f32 to vector<16xf32>
          %scan3A_261 = arith.constant 0 : i32
          %scan3A_262 = arith.constant 0 : i32
          %scan3A_263 = arith.constant 64 : i32
          %scan3A_264 = arith.addi %scan3A_262, %scan3A_263 : i32
          %scan3A_265 = arith.constant 1 : i32
          scf.for %scan3A_267 = %scan3A_262 to %scan3A_264 step %scan3A_265  : i32 {
            %broadcast_in_dim3A_268 = vector.broadcast %scan3A_267 : i32 to vector<16xi32>
            %scatter3A = arith.constant 0 : i32
            %scatter3A_269 = arith.constant 0 : i32
            %scatter3A_270 = tpu.memref_slice %arg6[%select_n3A_38, %scatter3A, %scatter3A_269] : memref<6x200x64xf32, #tpu.memory_space<vmem>> -> memref<1x200x64xf32, #tpu.memory_space<vmem>>
            %scatter3A_271 = tpu.memref_squeeze %scatter3A_270 : memref<1x200x64xf32, #tpu.memory_space<vmem>> -> memref<200x64xf32, #tpu.memory_space<vmem>>
            tpu.vector_store_idx %scatter3A_271[%add3A_259, %broadcast_in_dim3A_268], %broadcast_in_dim3A_260 masked %eq3A_230 : memref<200x64xf32, #tpu.memory_space<vmem>>[vector<16xi32>, vector<16xi32>], vector<16xf32>, vector<16xi1>
          }
          %scan3A_266 = arith.constant 64 : i32
        } else {
        }
        %add3A_239 = arith.addi %mul3A_2, %sub3A_19 : i32
        %dma_start3A = arith.constant 0 : i32
        %dma_start3A_240 = arith.constant 0 : i32
        %dma_start3A_241 = tpu.memref_slice %arg6[%select_n3A_38, %dma_start3A, %dma_start3A_240] : memref<6x200x64xf32, #tpu.memory_space<vmem>> -> memref<1x200x64xf32, #tpu.memory_space<vmem>>
        %dma_start3A_242 = tpu.memref_squeeze %dma_start3A_241 : memref<1x200x64xf32, #tpu.memory_space<vmem>> -> memref<200x64xf32, #tpu.memory_space<vmem>>
        %dma_start3A_243 = arith.constant 0 : i32
        %dma_start3A_244 = arith.constant 0 : i32
        %dma_start3A_245 = tpu.memref_slice %arg4[%add3A_239, %dma_start3A_243, %dma_start3A_244] : memref<4096x200x128xf32, #tpu.memory_space<hbm>> -> memref<1x200x64xf32, #tpu.memory_space<hbm>>
        %dma_start3A_246 = tpu.memref_squeeze %dma_start3A_245 : memref<1x200x64xf32, #tpu.memory_space<hbm>> -> memref<200x64xf32, #tpu.memory_space<hbm>>
        %dma_start3A_247 = tpu.memref_slice %arg8[%select_n3A_38] : memref<6x!tpu.dma_semaphore, #tpu.memory_space<semaphore_mem>> -> memref<1x!tpu.dma_semaphore, #tpu.memory_space<semaphore_mem>>
        %dma_start3A_248 = tpu.memref_squeeze %dma_start3A_247 : memref<1x!tpu.dma_semaphore, #tpu.memory_space<semaphore_mem>> -> memref<!tpu.dma_semaphore, #tpu.memory_space<semaphore_mem>>
        %dma_start3A_249 = arith.constant 0 : i32
        %dma_start3A_250 = arith.constant 0 : i32
        %dma_start3A_251 = tpu.memref_slice %arg4[%add3A_239, %dma_start3A_249, %dma_start3A_250] : memref<4096x200x128xf32, #tpu.memory_space<hbm>> -> memref<1x200x64xf32, #tpu.memory_space<hbm>>
        %dma_start3A_252 = tpu.memref_squeeze %dma_start3A_251 : memref<1x200x64xf32, #tpu.memory_space<hbm>> -> memref<200x64xf32, #tpu.memory_space<hbm>>
        %dma_start3A_253 = arith.constant 0 : i32
        %dma_start3A_254 = arith.constant 0 : i32
        %dma_start3A_255 = tpu.memref_slice %arg6[%select_n3A_38, %dma_start3A_253, %dma_start3A_254] : memref<6x200x64xf32, #tpu.memory_space<vmem>> -> memref<1x200x64xf32, #tpu.memory_space<vmem>>
        %dma_start3A_256 = tpu.memref_squeeze %dma_start3A_255 : memref<1x200x64xf32, #tpu.memory_space<vmem>> -> memref<200x64xf32, #tpu.memory_space<vmem>>
        tpu.enqueue_dma source(%dma_start3A_256 : memref<200x64xf32, #tpu.memory_space<vmem>>) target(%dma_start3A_252 : memref<200x64xf32, #tpu.memory_space<hbm>>) target_semaphore(%dma_start3A_248 : memref<!tpu.dma_semaphore, #tpu.memory_space<semaphore_mem>>)
      } else {
      }
    }
    %scan3A_7 = arith.constant 134 : i32
    return
  }
}

</mosaic_0001>

<sc_bundles>
// kernel: kernel.3.cloned.1.call-start
scs
__scs_entry_jumppad:
0x0: {  	(pc) =	sbr.rel $0x88, $3  }
0x1: {  	(tag) =	ssettag $0x0;
	lr =	simm.s32 $0x1  }
0x2: {  	[smem:$0x3F9F] =	sst lr;
	_ =	strace $0xD0000000  }
0x3: {  	_ = 	snop  }
0x4: {  	_ = 	snop  }
0x5: {  	_ = 	snop  }
0x6: {  	_ = 	snop  }
0x7: {  	_ = 	snop  }
__scs_overlays_trampoline_lowered:
0x8: {  	[smem:$0x3FAE] =	sst s0  }
0x9: {  	[smem:$0x3FAF] =	sst s1  }
0xa: {  	[smem:$0x3FB0] =	sst s2  }
0xb: {  	[smem:$0x3FB1] =	sst s3  }
0xc: {  	[smem:$0x3FB2] =	sst s4  }
0xd: {  	[smem:$0x3FB3] =	sst s5  }
0xe: {  	[smem:$0x3FB4] =	sst s6  }
0xf: {  	[smem:$0x3FB5] =	sst s7  }
0x10: {  	[smem:$0x3FB6] =	sst s8  }
0x11: {  	[smem:$0x3FB7] =	sst s9;
	s0 =	simm.s32 @!p0 $0x0  }
0x12: {  	s1 =	sld [smem:$0x3F9D];
	s0 =	simm.s32 @p0 $0x1  }
0x13: {  	[smem:$0x3FB8] =	sst s0;
	s0 =	simm.s32 @!p1 $0x0  }
0x14: {  	s2 =	sld [smem:$0x3F9C];
	s0 =	simm.s32 @p1 $0x1  }
0x15: {  	[smem:$0x3FB9] =	sst s0;
	s0 =	simm.s32 @!p2 $0x0  }
0x16: {  	s3 =	sld [smem:$0x3FDB];
	s0 =	simm.s32 @p2 $0x1  }
0x17: {  	s4 =	simm.s32 $0x1BF5;
	[smem:$0x3FBB] =	sst s0  }
0x18: {  	s0 =	sld [smem:$0x3F9E];
	_ =	swait.ge [sflag:s4], $0x0  }
0x19: {  	s7 =	sld [smem:$0x3F9F]  }
0x1a: {  	s8 =	sadd.s32 $0xFFFFE003, lr  }
0x1b: {  	s9 =	sadd.s32 $0xFFFFFEF7, lr;
	s5 =	simm.s32 $0xFFFFFFFF;
	p2 =	slt.u32 s8, $0xFFFFF086  }
0x1c: {  	p1 =	slt.u32 s9, $0xF7A;
	s5 =	simm.s32 @!p2 $0x0  }
0x1d: {  	s5 =	simm.s32 @p1 $0x1;
	p0 =	seq.s32 s7, s2  }
0x1e: {  	s7 =	smul.u32 @!p0 $0xF7A, s2;
	p2 =	seq.s32 @!p0 s5, $0x0  }
0x1f: {  	s9 =	smul.u32 $0xF7A, s1;
	s8 =	simm.s32 @!p0 $0x1BF5;
	p2 =	por !p2, p0  }
0x20: {  	[sflag:s8] =	ssyncset.s32 @!p0 $0xFFFFF086;
	s6 =	sadd.s32 @!p0 s3, s7;
	s7 =	simm.s32 @!p0 $0x108  }
0x21: {  	s3 =	sadd.s32 s3, s9;
	s6 =	sadd.s32 @!p0 $0x88, s6;
	s7 =	simm.s32 @p2 $0x1082  }
0x22: {  	[simem:s7], [sflag:s8] =	dma.local @!p0 [hbm:s6], $0xF7A  }
0x23: {  	s9 =	sor.u32 $0xD0000000, s2;
	s6 =	simm.s32 $0x108;
	_ =	swait.ge @!p0 [sflag:s8], $0x0  }
0x24: {  	s3 =	sadd.s32 $0x88, s3;
	s6 =	simm.s32 @!p1 $0x1082;
	[sflag:s4] =	ssyncset.s32 $0xFFFFF086  }
0x25: {  	[simem:s6], [sflag:s4] =	dma.local [hbm:s3], $0xF7A  }
0x26: {  	[smem:$0x3F9F] =	sst s1;
	(tag) =	ssettag s2;
	_ =	strace s9  }
0x27: {  	s1 =	sld [smem:$0x3FAF]  }
0x28: {  	s2 =	sld [smem:$0x3FB0]  }
0x29: {  	s4 =	sld [smem:$0x3FB2]  }
0x2a: {  	p0 =	seq.s32 s5, $0x0;
	s5 =	sld [smem:$0x3FB3]  }
0x2b: {  	s6 =	sld [smem:$0x3FB4]  }
0x2c: {  	s7 =	sld [smem:$0x3FB5]  }
0x2d: {  	s3 =	simm.s32 $0x108;
	s8 =	sld [smem:$0x3FB6]  }
0x2e: {  	s3 =	simm.s32 @!p0 $0x1082;
	s9 =	sld [smem:$0x3FB7]  }
0x2f: {  	lr =	sadd.s32 s0, s3;
	s0 =	sld [smem:$0x3FAE]  }
0x30: {  	s3 =	sld [smem:$0x3FB1]  }
0x31: {  	[smem:$0x3FBA] =	sst s10  }
0x32: {  	s10 =	sld [smem:$0x3FB8];
	_ =	sdelay $0x3  }
0x33: {  	p0 =	seq.s32 s10, $0x1;
	s10 =	sld [smem:$0x3FBA];
	_ =	sdelay $0x3  }
0x34: {  	[smem:$0x3FBA] =	sst s10  }
0x35: {  	s10 =	sld [smem:$0x3FB9];
	_ =	sdelay $0x3  }
0x36: {  	p1 =	seq.s32 s10, $0x1;
	s10 =	sld [smem:$0x3FBA];
	_ =	sdelay $0x3  }
0x37: {  	[smem:$0x3FBA] =	sst s10  }
0x38: {  	s10 =	sld [smem:$0x3FBB]  }
0x39: {  	_ = 	snop;
	(pc) =	sbr.ind lr, $3  }
0x3a: {  	_ = 	snop  }
0x3b: {  	_ = 	snop  }
0x3c: {  	p2 =	seq.s32 s10, $0x1;
	s10 =	sld [smem:$0x3FBA]  }
0x3d: {  	_ =	shalt  }
0x3e: {  	_ =	shalt  }
0x3f: {  	_ =	shalt  }
0x40: {  	_ =	shalt  }
0x41: {  	_ =	shalt  }
0x42: {  	_ =	shalt  }
0x43: {  	_ =	shalt  }
0x44: {  	_ =	shalt  }
0x45: {  	_ =	shalt  }
0x46: {  	_ =	shalt  }
0x47: {  	_ =	shalt  }
0x48: {  	_ =	shalt  }
0x49: {  	_ =	shalt  }
0x4a: {  	_ =	shalt  }
0x4b: {  	_ =	shalt  }
0x4c: {  	_ =	shalt  }
0x4d: {  	_ =	shalt  }
0x4e: {  	_ =	shalt  }
0x4f: {  	_ =	shalt  }
0x50: {  	_ =	shalt  }
0x51: {  	_ =	shalt  }
0x52: {  	_ =	shalt  }
0x53: {  	_ =	shalt  }
0x54: {  	_ =	shalt  }
0x55: {  	_ =	shalt  }
0x56: {  	_ =	shalt  }
0x57: {  	_ =	shalt  }
0x58: {  	_ =	shalt  }
0x59: {  	_ =	shalt  }
0x5a: {  	_ =	shalt  }
0x5b: {  	_ =	shalt  }
0x5c: {  	_ =	shalt  }
0x5d: {  	_ =	shalt  }
0x5e: {  	_ =	shalt  }
0x5f: {  	_ =	shalt  }
0x60: {  	_ =	shalt  }
0x61: {  	_ =	shalt  }
0x62: {  	_ =	shalt  }
0x63: {  	_ =	shalt  }
0x64: {  	_ =	shalt  }
0x65: {  	_ =	shalt  }
0x66: {  	_ =	shalt  }
0x67: {  	_ =	shalt  }
0x68: {  	_ =	shalt  }
0x69: {  	_ =	shalt  }
0x6a: {  	_ =	shalt  }
0x6b: {  	_ =	shalt  }
0x6c: {  	_ =	shalt  }
0x6d: {  	_ =	shalt  }
0x6e: {  	_ =	shalt  }
0x6f: {  	_ =	shalt  }
0x70: {  	_ =	shalt  }
0x71: {  	_ =	shalt  }
0x72: {  	_ =	shalt  }
0x73: {  	_ =	shalt  }
0x74: {  	_ =	shalt  }
0x75: {  	_ =	shalt  }
0x76: {  	_ =	shalt  }
0x77: {  	_ =	shalt  }
0x78: {  	_ =	shalt  }
0x79: {  	_ =	shalt  }
0x7a: {  	_ =	shalt  }
0x7b: {  	_ =	shalt  }
0x7c: {  	_ =	shalt  }
0x7d: {  	_ =	shalt  }
0x7e: {  	_ =	shalt  }
0x7f: {  	_ =	shalt  }
0x80: {  	_ =	shalt  }
0x81: {  	_ =	shalt  }
0x82: {  	_ =	shalt  }
0x83: {  	_ =	shalt  }
0x84: {  	_ =	shalt  }
0x85: {  	_ =	shalt  }
0x86: {  	_ =	shalt  }
0x87: {  	_ =	shalt  }
.Lfunc_end0:
.L_simem_size_0:
called_computation.1_lowered:
.L_overlay_start_0:
0x88: {  	s2 =	sld [smem:$0x3FD9]  }
0x89: {  	s3 =	sld [smem:$0x3FFE];
	_ =	sdelay $0x1  }
0x8a: {  	s1 =	srdreg.scid  }
0x8b: {  	s0 =	sand.u32 $0x1, s1  }
0x8c: {  	s17 =	sshll.u32 s0, $0xA;
	s2 =	sadd.s32 s3, s2  }
0x8d: {  	s2 =	sadd.s32 s2, s17  }
0x8e: {  	[smem:$0x3FC6] =	sst s2  }
0x8f: {  	_ = 	snop  }
0x90: {  	s2 =	sld [smem:$0x3FD0];
	(tm) =	ssettm $0x1  }
0x91: {  	s18 =	sld [smem:$0x3FFB];
	_ =	sdelay $0x3  }
0x92: {  	_ =	strace s18  }
0x93: {  	s3 =	sld [smem:$0x3FFC];
	_ =	sdelay $0x3  }
0x94: {  	_ =	strace s3  }
0x95: {  	s3 =	sld [smem:$0x3FFD];
	_ =	sdelay $0x3  }
0x96: {  	_ =	strace s3  }
0x97: {  	_ =	strace $0x8FFFFFFF  }
0x98: {  	s19 =	sld [smem:$0x3FDB];
	_ =	sdelay $0x1  }
0x99: {  	s4 =	simm.s32 $_scs_section_size  }
0x9a: {  	s5 =	simm.s32 $_size__tile_overlayer_lowered;
	s6 =	simm.s32 $_tile_overlayer_lowered  }
0x9b: {  	s22 =	simm.s32 $0x1BFF;
	s21 =	sshll.u32 s6, $0x1;
	s3 =	sadd.s32 s4, s19  }
0x9c: {  	s7 =	simm.s32 $0x0;
	s20 =	sshll.u32 s5, $0x1;
	s5 =	sadd.s32 s21, s3  }
0x9d: {  	[timem:s7], [sflag:s22] =	dma.local [hbm:s5], s20  }
0x9e: {  	_ =	swait.ge [sflag:s22], s20  }
0x9f: {  	s4 =	ssub.s32 $0x0, s20;
	[sflag:s22] =	ssyncset.done $0x0  }
0xa0: {  	[sflag:s22] =	ssyncadd.s32 s4;
	_ =	sdelay $0x1  }
0xa1: {  	s23 =	simm.s32 $0x1B8B  }
0xa2: {  	_ =	swait.ge [sflag:s23], $0x1  }
0xa3: {  	[sflag:s23] =	ssyncset.done $0x0  }
0xa4: {  	s25 =	simm.s32 $0x1B8E;
	s24 =	sld [smem:$0x3FFE];
	[sflag:s23] =	ssyncadd.s32 $0xFFFFFFFF  }
0xa5: {  	s26 =	simm.s32 $execute0_lowered;
	[smem:$0x3FD2] =	sst s25  }
0xa6: {  	s5 =	sshll.u32 s26, $0x1;
	_ =	strace $0x80000046;
	[dreg:$0x1] =	wrdreg $0xFFFFFFFF  }
0xa7: {  	s28 =	simm.s32 $_size_execute0_lowered;
	s3 =	sadd.s32 s3, s5;
	[dreg:$0x0] =	wrdreg $0x0  }
0xa8: {  	s5 =	sshll.u32 s28, $0x1;
	[dreg:$0x2] =	wrdreg s3  }
0xa9: {  	[dreg:$0x3] =	wrdreg s5  }
0xaa: {  	[dreg:$0x4] =	wrdreg $0xC0  }
0xab: {  	_ =	task [dreg:s7], $0x5FFFF  }
0xac: {  	[dreg:$0x1] =	wrdreg $0xFFFFFFFF  }
0xad: {  	[dreg:$0x0] =	wrdreg $0x60  }
0xae: {  	[dreg:$0x2] =	wrdreg s2  }
0xaf: {  	[dreg:$0x3] =	wrdreg s24  }
0xb0: {  	[dreg:$0x4] =	wrdreg $0x9  }
0xb1: {  	_ =	task.clear_ibuf [dreg:s7], $0x5FFFF;
	_ =	strace $0x90000046  }
0xb2: {  	s29 =	simm.s32 $0x9;
	_ =	strace $0x80000048  }
0xb3: {  	_ =	swait.ge [sflag:s29], $0x1  }
0xb4: {  	[sflag:s29] =	ssyncadd.s32 $0xFFFFFFFF  }
0xb5: {  	_ =	strace $0x90000048  }
0xb6: {  	_ =	sfence  }
0xb7: {  	s30 =	sld [smem:$0x0];
	_ =	sdelay $0x2  }
0xb8: {  	s31 =	sshll.u32 s1, $0xD;
	s1 =	sshrl.u32 s1, $0x2  }
0xb9: {  	s3 =	sand.u32 $0x4000, s31;
	s1 =	sadd.s32 s1, s30  }
0xba: {  	s0 =	sor.u32 s3, s0;
	s1 =	sshll.u32 s1, $0x11  }
0xbb: {  	s0 =	sor.u32 s1, s0  }
0xbc: {  	s0 =	sadd.s32 $0x8F2B, s0  }
0xbd: {  	[sflag:s0] =	ssyncadd.remote.s32 $0x1  }
0xbe: {  	_ =	sfence.sel $0xFFFF  }
0xbf: {  	[dreg:$0x0] =	wrdreg $0xFFFFFFFF;
	(pc) =	sbr.abs _section_cstart, $3  }
0xc0: {  	[dreg:$0x1] =	wrdreg $0xFFFFFFFF  }
0xc1: {  	_ =	task.clear_ibuf [dreg:s7], $0x2FFFF;
	_ =	strace $0x9FFFFFFF  }
0xc2: {  	(tm) =	ssettm $0x7FFFFFFF  }
0xc3: {  	_ =	shalt  }
tec
execute0_lowered:
.L_overlay_start_1:
0x0: {  	(tag) =	ssettag $0x1  }
0x1: {  	s6 =	rddreg [dreg:$0x0]  }
0x2: {  	s5 =	rddreg [dreg:$0x1];
	s2 =	srdreg.scid  }
0x3: {  	s0 =	rddreg [dreg:$0x2];
	s1 =	stileid.u32;
	s10 =	simm.s32 $0x60  }
0x4: {  	v0 =	vlaneseq.u32;
	s11 =	simm.s32 $0x40;
	s12 =	simm.s32 $0x80;
	s13 =	simm.s32 $0x0  }
0x5: {  	s3 =	sand.u32 $0x1, s2;
	s2 =	simm.s32 $0x0;
	s4 =	sshll.u32 s1, $0x8;
	v0 =	vmul.u32 $0x40, v0  }
.Ltmp0:
0x6: {  	v1 =	vimm.f32 $0.0e+00;
	s7 =	sshll.u32 s3, $0x7;
	[smem:$0x7FF] =	sst s2;
	(pc) =	sbr.rel .LBB2_1-.Ltmp0, $4  }
0x7: {  	s8 =	ssub.s32 $0x2, s3;
	s3 =	sor.u32 s7, s4;
	_ =	strace $0x80000047;
	v2 =	vor.u32 $0x400, v0;
	v3 =	vor.u32 $0x800, v0;
	v4 =	vor.u32 $0xC00, v0  }
0x8: {  	s31 =	sshrl.u32 s8, $0x1;
	s4 =	sadd.s32 $0xF42E00, s5;
	v5 =	vor.u32 $0x1000, v0;
	v6 =	vor.u32 $0x1400, v0;
	v7 =	vor.u32 $0x1800, v0;
	s9 =	smul.u32 $0x19, s3  }
0x9: {  	s5 =	sadd.s32 $0xA00, s5;
	v8 =	vor.u32 $0x1C00, v0;
	v9 =	vor.u32 $0x2000, v0;
	v10 =	vor.u32 $0x2400, v0;
	s7 =	ssub.s32 s8, s31;
	s8 =	simm.s32 $0xD  }
0xa: {  	v11 =	vor.u32 $0x2800, v0;
	v12 =	vor.u32 $0x2C00, v0;
	v13 =	vadd.s32 $0x2E00, v0;
	s7 =	smax.u32 s7, $0x1;
	s6 =	sadd.s32 s6, s9;
	s9 =	simm.s32 $0x68  }
.LBB2_57:
0xb: {  	s13 =	sadd.s32 $0x1, s13  }
0xc: {  	p0 =	sne.s32 s13, s7  }
.Ltmp1:
0xd: {  	_ = 	snop;
	(pc) =	sbr.rel @!p0 .LBB2_58-.Ltmp1, $1  }
0xe: {  	_ =	sdelay $0x3  }
.LBB2_1:
.Ltmp2:
0xf: {  	(pc) =	sbr.rel .LBB2_2-.Ltmp2, $4  }
0x10: {  	[tilespmem:s2], [sflag:$0xD] =	stream.linear.gather [hbm4b:s6+s2], $0x6400, $0x38;
	[tilespmem:$0x19000] =	vst v63  }
0x11: {  	_ =	swait.ge [sflag:s8], $0x6400  }
0x12: {  	[sflag:s8] =	ssyncset.done $0x0  }
0x13: {  	s14 =	simm.s32 $0x0;
	[sflag:s8] =	ssyncadd.s32 $0xFFFF9C00  }
.LBB2_55:
0x14: {  	s15 =	sor.u32 s3, s15  }
0x15: {  	s15 =	smul.u32 $0xC80, s15;
	_ =	sdelay $0x1  }
0x16: {  	s16 =	sadd.s32 $0x7, s16;
	s15 =	sadd.s32 s5, s15  }
0x17: {  	[hbm4b:s15+s11] =	stream.strided.scatter [tilespmem:s17], [sflag:s16], $0x3200, s12, s11, $0x38;
	[tilespmem:$0x19000] =	vst v63  }
.LBB2_56:
0x18: {  	s14 =	sadd.s32 $0x1, s14  }
0x19: {  	p0 =	sne.s32 s14, $0x86  }
.Ltmp3:
0x1a: {  	_ = 	snop;
	(pc) =	sbr.rel @!p0 .LBB2_57-.Ltmp3, $1  }
0x1b: {  	_ =	sdelay $0x3  }
.LBB2_2:
0x1c: {  	s15 =	sadd.s32 $0xFFFFFFFA, s14  }
0x1d: {  	p0 =	sgt.u32 s15, $0x7F  }
0x1e: {  	s16 =	smul.u32 @!p0 $0xAB, s15;
	_ =	sdelay $0x1  }
0x1f: {  	s16 =	sshrl.u32 @!p0 s16, $0xA  }
0x20: {  	s16 =	sand.u32 @!p0 $0x3F, s16  }
0x21: {  	s16 =	smul.u32 @!p0 $0x6, s16;
	_ =	sdelay $0x1  }
0x22: {  	s15 =	ssub.s32 @!p0 s15, s16  }
0x23: {  	s15 =	sand.u32 @!p0 $0xFF, s15  }
0x24: {  	s15 =	sadd.s32 @!p0 $0x7, s15  }
0x25: {  	p1 =	sgt.u32 @!p0 s14, $0x7F;
	_ =	swait.ge @!p0 [sflag:s15], $0x3200  }
0x26: {  	p1 =	por p0, !p1;
	[sflag:s15] =	ssyncset.done @!p0 $0x0  }
0x27: {  	[sflag:s15] =	ssyncadd.s32 @!p0 $0xFFFFCE00;
	s15 =	smul.u32 @p1 $0xAB, s14;
	_ =	sdelay $0x1  }
0x28: {  	s15 =	sshrl.u32 @p1 s15, $0xA  }
0x29: {  	s15 =	sand.u32 @p1 $0x3F, s15  }
0x2a: {  	s15 =	smul.u32 @p1 $0x6, s15;
	_ =	sdelay $0x1  }
0x2b: {  	s15 =	ssub.s32 @p1 s14, s15  }
0x2c: {  	s15 =	sand.u32 @p1 $0xFF, s15  }
0x2d: {  	s16 =	smul.u32 @p1 $0xC800, s15  }
0x2e: {  	s17 =	smul.u32 @p1 $0x320, s14  }
0x2f: {  	s16 =	sshrl.u32 @p1 s16, $0x2  }
0x30: {  	s17 =	sshra.s32 @p1 s17, $0x2;
	s15 =	sadd.s32 @p1 $0x1, s15;
	s18 =	sadd.s32 @p1 $0x6400, s16  }
0x31: {  	[tilespmem:s18], [sflag:s15] =	stream.indirect.gather @p1 [hbm4b:s4+s9], $0x40, s17, s9, $0xb8;
	[tilespmem:$0x19000] =	vst v63  }
0x32: {  	s16 =	sadd.s32 @p1 $0x7E00, s16;
	s17 =	sadd.s32 @p1 $0x68, s17  }
0x33: {  	[tilespmem:s16], [sflag:s15] =	stream.indirect.gather @p1 [hbm4b:s4+s10], $0x40, s17, s10, $0xb8;
	[tilespmem:$0x19000] =	vst v63  }
0x34: {  	s15 =	sadd.s32 $0xFFFFFFFD, s14  }
0x35: {  	p0 =	sgt.u32 s15, $0x7F  }
.Ltmp4:
0x36: {  	_ = 	snop;
	(pc) =	sbr.rel @p0 .LBB2_56-.Ltmp4, $1  }
0x37: {  	_ =	sdelay $0x3  }
0x38: {  	s16 =	smul.u32 $0xAB, s15;
	_ =	sdelay $0x1  }
0x39: {  	s16 =	sshrl.u32 s16, $0xA  }
0x3a: {  	s16 =	sand.u32 $0x3F, s16  }
0x3b: {  	s16 =	smul.u32 $0x6, s16;
	_ =	sdelay $0x1  }
0x3c: {  	s16 =	ssub.s32 s15, s16  }
0x3d: {  	s16 =	sand.u32 $0xFF, s16  }
0x3e: {  	s17 =	sadd.s32 $0x1, s16  }
0x3f: {  	_ =	swait.ge [sflag:s17], $0x1A00  }
0x40: {  	[sflag:s17] =	ssyncset.done $0x0  }
0x41: {  	[sflag:s17] =	ssyncadd.s32 $0xFFFFE600  }
0x42: {  	s18 =	smul.u32 $0x320, s15;
	_ =	swait.ge [sflag:s17], $0x1800  }
0x43: {  	[sflag:s17] =	ssyncset.done $0x0  }
0x44: {  	[sflag:s17] =	ssyncadd.s32 $0xFFFFE800;
	s17 =	sshra.s32 s18, $0x2  }
0x45: {  	v14 =	vld [tilespmem:s17+$0x0];
	_ =	sdelay $0x4  }
0x46: {  	vm0 =	veq.s32 v14, $0x0  }
0x47: {  	v14 =	vmpcnt.ones.xlane vm0;
	_ =	sdelay $0x1  }
0x48: {  	(v2sf) =	vpush v14, $0x0;
	_ =	sdelay $0xe  }
0x49: {  	s31 =	spop (v2sf)  }
0x4a: {  	p0 =	slt.s32 s31, $0x1  }
.Ltmp5:
0x4b: {  	_ = 	snop;
	(pc) =	sbr.rel @p0 .LBB2_7-.Ltmp5, $3  }
0x4c: {  	_ = 	snop  }
0x4d: {  	s19 =	smul.u32 $0xC800, s16;
	_ =	sdelay $0x1  }
0x4e: {  	s18 =	sshrl.u32 s19, $0x2  }
0x4f: {  	s19 =	simm.s32 $0x0  }
0x50: {  	v14 =	vmov s19  }
0x51: {  	v14 =	vand.u32 $0x3F, v14  }
0x52: {  	v14 =	vbroadcast v14, $0x0;
	_ =	sdelay $0x1  }
0x53: {  	s20 =	simm.s32 $0x1;
	s19 =	sadd.s32 $0x6400, s18;
	v14 =	vor.u32 v0, v14  }
.LBB2_5:
0x54: {  	p0 =	sne.s32 s20, $0x3F  }
.Ltmp6:
0x55: {  	v15 =	vmov s20;
	s20 =	sadd.s32 $0x1, s20;
	(pc) =	sbr.rel @p0 .LBB2_5-.Ltmp6, $4  }
0x56: {  	v15 =	vand.u32 $0x3F, v15  }
0x57: {  	v15 =	vbroadcast v15, $0x0  }
0x58: {  	[tilespmem:v14+s19+$0x0] =	vst.idx.msk vm0, v1  }
0x59: {  	v14 =	vor.u32 v0, v15  }
0x5a: {  	_ =	sdelay $0x4  }
0x5b: {  	[tilespmem:v14+s19+$0x0] =	vst.idx.msk vm0, v1  }
.LBB2_7:
0x5c: {  	v14 =	vld [tilespmem:s17+$0x10];
	_ =	sdelay $0x4  }
0x5d: {  	vm0 =	veq.s32 v14, $0x0  }
0x5e: {  	v14 =	vmpcnt.ones.xlane vm0;
	_ =	sdelay $0x1  }
0x5f: {  	(v2sf) =	vpush v14, $0x0;
	_ =	sdelay $0xe  }
0x60: {  	s19 =	spop (v2sf)  }
0x61: {  	p0 =	slt.s32 s19, $0x1  }
.Ltmp7:
0x62: {  	_ = 	snop;
	(pc) =	sbr.rel @p0 .LBB2_11-.Ltmp7, $1  }
0x63: {  	_ =	sdelay $0x3  }
0x64: {  	s19 =	simm.s32 $0x0  }
0x65: {  	v14 =	vmov s19  }
0x66: {  	v14 =	vand.u32 $0x3F, v14  }
0x67: {  	v14 =	vbroadcast v14, $0x0;
	_ =	sdelay $0x1  }
0x68: {  	s20 =	simm.s32 $0x1;
	s19 =	sadd.s32 $0x6400, s18;
	v14 =	vor.u32 v2, v14  }
.LBB2_9:
0x69: {  	p0 =	sne.s32 s20, $0x3F  }
.Ltmp8:
0x6a: {  	v15 =	vmov s20;
	s20 =	sadd.s32 $0x1, s20;
	(pc) =	sbr.rel @p0 .LBB2_9-.Ltmp8, $4  }
0x6b: {  	v15 =	vand.u32 $0x3F, v15  }
0x6c: {  	v15 =	vbroadcast v15, $0x0  }
0x6d: {  	[tilespmem:v14+s19+$0x0] =	vst.idx.msk vm0, v1  }
0x6e: {  	v14 =	vor.u32 v2, v15  }
0x6f: {  	_ =	sdelay $0x4  }
0x70: {  	[tilespmem:v14+s19+$0x0] =	vst.idx.msk vm0, v1  }
.LBB2_11:
0x71: {  	v14 =	vld [tilespmem:s17+$0x20];
	_ =	sdelay $0x4  }
0x72: {  	vm0 =	veq.s32 v14, $0x0  }
0x73: {  	v14 =	vmpcnt.ones.xlane vm0;
	_ =	sdelay $0x1  }
0x74: {  	(v2sf) =	vpush v14, $0x0;
	_ =	sdelay $0xe  }
0x75: {  	s19 =	spop (v2sf)  }
0x76: {  	p0 =	slt.s32 s19, $0x1  }
.Ltmp9:
0x77: {  	_ = 	snop;
	(pc) =	sbr.rel @p0 .LBB2_15-.Ltmp9, $1  }
0x78: {  	_ =	sdelay $0x3  }
0x79: {  	s19 =	simm.s32 $0x0  }
0x7a: {  	v14 =	vmov s19  }
0x7b: {  	v14 =	vand.u32 $0x3F, v14  }
0x7c: {  	v14 =	vbroadcast v14, $0x0;
	_ =	sdelay $0x1  }
0x7d: {  	s20 =	simm.s32 $0x1;
	s19 =	sadd.s32 $0x6400, s18;
	v14 =	vor.u32 v3, v14  }
.LBB2_13:
0x7e: {  	p0 =	sne.s32 s20, $0x3F  }
.Ltmp10:
0x7f: {  	v15 =	vmov s20;
	s20 =	sadd.s32 $0x1, s20;
	(pc) =	sbr.rel @p0 .LBB2_13-.Ltmp10, $4  }
0x80: {  	v15 =	vand.u32 $0x3F, v15  }
0x81: {  	v15 =	vbroadcast v15, $0x0  }
0x82: {  	[tilespmem:v14+s19+$0x0] =	vst.idx.msk vm0, v1  }
0x83: {  	v14 =	vor.u32 v3, v15  }
0x84: {  	_ =	sdelay $0x4  }
0x85: {  	[tilespmem:v14+s19+$0x0] =	vst.idx.msk vm0, v1  }
.LBB2_15:
0x86: {  	v14 =	vld [tilespmem:s17+$0x30];
	_ =	sdelay $0x4  }
0x87: {  	vm0 =	veq.s32 v14, $0x0  }
0x88: {  	v14 =	vmpcnt.ones.xlane vm0;
	_ =	sdelay $0x1  }
0x89: {  	(v2sf) =	vpush v14, $0x0;
	_ =	sdelay $0xe  }
0x8a: {  	s19 =	spop (v2sf)  }
0x8b: {  	p0 =	slt.s32 s19, $0x1  }
.Ltmp11:
0x8c: {  	_ = 	snop;
	(pc) =	sbr.rel @p0 .LBB2_19-.Ltmp11, $1  }
0x8d: {  	_ =	sdelay $0x3  }
0x8e: {  	s19 =	simm.s32 $0x0  }
0x8f: {  	v14 =	vmov s19  }
0x90: {  	v14 =	vand.u32 $0x3F, v14  }
0x91: {  	v14 =	vbroadcast v14, $0x0;
	_ =	sdelay $0x1  }
0x92: {  	s20 =	simm.s32 $0x1;
	s19 =	sadd.s32 $0x6400, s18;
	v14 =	vor.u32 v4, v14  }
.LBB2_17:
0x93: {  	p0 =	sne.s32 s20, $0x3F  }
.Ltmp12:
0x94: {  	v15 =	vmov s20;
	s20 =	sadd.s32 $0x1, s20;
	(pc) =	sbr.rel @p0 .LBB2_17-.Ltmp12, $4  }
0x95: {  	v15 =	vand.u32 $0x3F, v15  }
0x96: {  	v15 =	vbroadcast v15, $0x0  }
0x97: {  	[tilespmem:v14+s19+$0x0] =	vst.idx.msk vm0, v1  }
0x98: {  	v14 =	vor.u32 v4, v15  }
0x99: {  	_ =	sdelay $0x4  }
0x9a: {  	[tilespmem:v14+s19+$0x0] =	vst.idx.msk vm0, v1  }
.LBB2_19:
0x9b: {  	v14 =	vld [tilespmem:s17+$0x40];
	_ =	sdelay $0x4  }
0x9c: {  	vm0 =	veq.s32 v14, $0x0  }
0x9d: {  	v14 =	vmpcnt.ones.xlane vm0;
	_ =	sdelay $0x1  }
0x9e: {  	(v2sf) =	vpush v14, $0x0;
	_ =	sdelay $0xe  }
0x9f: {  	s19 =	spop (v2sf)  }
0xa0: {  	p0 =	slt.s32 s19, $0x1  }
.Ltmp13:
0xa1: {  	_ = 	snop;
	(pc) =	sbr.rel @p0 .LBB2_23-.Ltmp13, $1  }
0xa2: {  	_ =	sdelay $0x3  }
0xa3: {  	s19 =	simm.s32 $0x0  }
0xa4: {  	v14 =	vmov s19  }
0xa5: {  	v14 =	vand.u32 $0x3F, v14  }
0xa6: {  	v14 =	vbroadcast v14, $0x0;
	_ =	sdelay $0x1  }
0xa7: {  	s20 =	simm.s32 $0x1;
	s19 =	sadd.s32 $0x6400, s18;
	v14 =	vor.u32 v5, v14  }
.LBB2_21:
0xa8: {  	p0 =	sne.s32 s20, $0x3F  }
.Ltmp14:
0xa9: {  	v15 =	vmov s20;
	s20 =	sadd.s32 $0x1, s20;
	(pc) =	sbr.rel @p0 .LBB2_21-.Ltmp14, $4  }
0xaa: {  	v15 =	vand.u32 $0x3F, v15  }
0xab: {  	v15 =	vbroadcast v15, $0x0  }
0xac: {  	[tilespmem:v14+s19+$0x0] =	vst.idx.msk vm0, v1  }
0xad: {  	v14 =	vor.u32 v5, v15  }
0xae: {  	_ =	sdelay $0x4  }
0xaf: {  	[tilespmem:v14+s19+$0x0] =	vst.idx.msk vm0, v1  }
.LBB2_23:
0xb0: {  	v14 =	vld [tilespmem:s17+$0x50];
	_ =	sdelay $0x4  }
0xb1: {  	vm0 =	veq.s32 v14, $0x0  }
0xb2: {  	v14 =	vmpcnt.ones.xlane vm0;
	_ =	sdelay $0x1  }
0xb3: {  	(v2sf) =	vpush v14, $0x0;
	_ =	sdelay $0xe  }
0xb4: {  	s19 =	spop (v2sf)  }
0xb5: {  	p0 =	slt.s32 s19, $0x1  }
.Ltmp15:
0xb6: {  	_ = 	snop;
	(pc) =	sbr.rel @p0 .LBB2_27-.Ltmp15, $1  }
0xb7: {  	_ =	sdelay $0x3  }
0xb8: {  	s19 =	simm.s32 $0x0  }
0xb9: {  	v14 =	vmov s19  }
0xba: {  	v14 =	vand.u32 $0x3F, v14  }
0xbb: {  	v14 =	vbroadcast v14, $0x0;
	_ =	sdelay $0x1  }
0xbc: {  	s20 =	simm.s32 $0x1;
	s19 =	sadd.s32 $0x6400, s18;
	v14 =	vor.u32 v6, v14  }
.LBB2_25:
0xbd: {  	p0 =	sne.s32 s20, $0x3F  }
.Ltmp16:
0xbe: {  	v15 =	vmov s20;
	s20 =	sadd.s32 $0x1, s20;
	(pc) =	sbr.rel @p0 .LBB2_25-.Ltmp16, $4  }
0xbf: {  	v15 =	vand.u32 $0x3F, v15  }
0xc0: {  	v15 =	vbroadcast v15, $0x0  }
0xc1: {  	[tilespmem:v14+s19+$0x0] =	vst.idx.msk vm0, v1  }
0xc2: {  	v14 =	vor.u32 v6, v15  }
0xc3: {  	_ =	sdelay $0x4  }
0xc4: {  	[tilespmem:v14+s19+$0x0] =	vst.idx.msk vm0, v1  }
.LBB2_27:
0xc5: {  	v14 =	vld [tilespmem:s17+$0x60];
	_ =	sdelay $0x4  }
0xc6: {  	vm0 =	veq.s32 v14, $0x0  }
0xc7: {  	v14 =	vmpcnt.ones.xlane vm0;
	_ =	sdelay $0x1  }
0xc8: {  	(v2sf) =	vpush v14, $0x0;
	_ =	sdelay $0xe  }
0xc9: {  	s19 =	spop (v2sf)  }
0xca: {  	p0 =	slt.s32 s19, $0x1  }
.Ltmp17:
0xcb: {  	_ = 	snop;
	(pc) =	sbr.rel @p0 .LBB2_31-.Ltmp17, $1  }
0xcc: {  	_ =	sdelay $0x3  }
0xcd: {  	s19 =	simm.s32 $0x0  }
0xce: {  	v14 =	vmov s19  }
0xcf: {  	v14 =	vand.u32 $0x3F, v14  }
0xd0: {  	v14 =	vbroadcast v14, $0x0;
	_ =	sdelay $0x1  }
0xd1: {  	s20 =	simm.s32 $0x1;
	s19 =	sadd.s32 $0x6400, s18;
	v14 =	vor.u32 v7, v14  }
.LBB2_29:
0xd2: {  	p0 =	sne.s32 s20, $0x3F  }
.Ltmp18:
0xd3: {  	v15 =	vmov s20;
	s20 =	sadd.s32 $0x1, s20;
	(pc) =	sbr.rel @p0 .LBB2_29-.Ltmp18, $4  }
0xd4: {  	v15 =	vand.u32 $0x3F, v15  }
0xd5: {  	v15 =	vbroadcast v15, $0x0  }
0xd6: {  	[tilespmem:v14+s19+$0x0] =	vst.idx.msk vm0, v1  }
0xd7: {  	v14 =	vor.u32 v7, v15  }
0xd8: {  	_ =	sdelay $0x4  }
0xd9: {  	[tilespmem:v14+s19+$0x0] =	vst.idx.msk vm0, v1  }
.LBB2_31:
0xda: {  	v14 =	vld [tilespmem:s17+$0x70];
	_ =	sdelay $0x4  }
0xdb: {  	vm0 =	veq.s32 v14, $0x0  }
0xdc: {  	v14 =	vmpcnt.ones.xlane vm0;
	_ =	sdelay $0x1  }
0xdd: {  	(v2sf) =	vpush v14, $0x0;
	_ =	sdelay $0xe  }
0xde: {  	s19 =	spop (v2sf)  }
0xdf: {  	p0 =	slt.s32 s19, $0x1  }
.Ltmp19:
0xe0: {  	_ = 	snop;
	(pc) =	sbr.rel @p0 .LBB2_35-.Ltmp19, $1  }
0xe1: {  	_ =	sdelay $0x3  }
0xe2: {  	s19 =	simm.s32 $0x0  }
0xe3: {  	v14 =	vmov s19  }
0xe4: {  	v14 =	vand.u32 $0x3F, v14  }
0xe5: {  	v14 =	vbroadcast v14, $0x0;
	_ =	sdelay $0x1  }
0xe6: {  	s20 =	simm.s32 $0x1;
	s19 =	sadd.s32 $0x6400, s18;
	v14 =	vor.u32 v8, v14  }
.LBB2_33:
0xe7: {  	p0 =	sne.s32 s20, $0x3F  }
.Ltmp20:
0xe8: {  	v15 =	vmov s20;
	s20 =	sadd.s32 $0x1, s20;
	(pc) =	sbr.rel @p0 .LBB2_33-.Ltmp20, $4  }
0xe9: {  	v15 =	vand.u32 $0x3F, v15  }
0xea: {  	v15 =	vbroadcast v15, $0x0  }
0xeb: {  	[tilespmem:v14+s19+$0x0] =	vst.idx.msk vm0, v1  }
0xec: {  	v14 =	vor.u32 v8, v15  }
0xed: {  	_ =	sdelay $0x4  }
0xee: {  	[tilespmem:v14+s19+$0x0] =	vst.idx.msk vm0, v1  }
.LBB2_35:
0xef: {  	v14 =	vld [tilespmem:s17+$0x80];
	_ =	sdelay $0x4  }
0xf0: {  	vm0 =	veq.s32 v14, $0x0  }
0xf1: {  	v14 =	vmpcnt.ones.xlane vm0;
	_ =	sdelay $0x1  }
0xf2: {  	(v2sf) =	vpush v14, $0x0;
	_ =	sdelay $0xe  }
0xf3: {  	s19 =	spop (v2sf)  }
0xf4: {  	p0 =	slt.s32 s19, $0x1  }
.Ltmp21:
0xf5: {  	_ = 	snop;
	(pc) =	sbr.rel @p0 .LBB2_39-.Ltmp21, $1  }
0xf6: {  	_ =	sdelay $0x3  }
0xf7: {  	s19 =	simm.s32 $0x0  }
0xf8: {  	v14 =	vmov s19  }
0xf9: {  	v14 =	vand.u32 $0x3F, v14  }
0xfa: {  	v14 =	vbroadcast v14, $0x0;
	_ =	sdelay $0x1  }
0xfb: {  	s20 =	simm.s32 $0x1;
	s19 =	sadd.s32 $0x6400, s18;
	v14 =	vor.u32 v9, v14  }
.LBB2_37:
0xfc: {  	p0 =	sne.s32 s20, $0x3F  }
.Ltmp22:
0xfd: {  	v15 =	vmov s20;
	s20 =	sadd.s32 $0x1, s20;
	(pc) =	sbr.rel @p0 .LBB2_37-.Ltmp22, $4  }
0xfe: {  	v15 =	vand.u32 $0x3F, v15  }
0xff: {  	v15 =	vbroadcast v15, $0x0  }
0x100: {  	[tilespmem:v14+s19+$0x0] =	vst.idx.msk vm0, v1  }
0x101: {  	v14 =	vor.u32 v9, v15  }
0x102: {  	_ =	sdelay $0x4  }
0x103: {  	[tilespmem:v14+s19+$0x0] =	vst.idx.msk vm0, v1  }
.LBB2_39:
0x104: {  	v14 =	vld [tilespmem:s17+$0x90];
	_ =	sdelay $0x4  }
0x105: {  	vm0 =	veq.s32 v14, $0x0  }
0x106: {  	v14 =	vmpcnt.ones.xlane vm0;
	_ =	sdelay $0x1  }
0x107: {  	(v2sf) =	vpush v14, $0x0;
	_ =	sdelay $0xe  }
0x108: {  	s19 =	spop (v2sf)  }
0x109: {  	p0 =	slt.s32 s19, $0x1  }
.Ltmp23:
0x10a: {  	_ = 	snop;
	(pc) =	sbr.rel @p0 .LBB2_43-.Ltmp23, $1  }
0x10b: {  	_ =	sdelay $0x3  }
0x10c: {  	s19 =	simm.s32 $0x0  }
0x10d: {  	v14 =	vmov s19  }
0x10e: {  	v14 =	vand.u32 $0x3F, v14  }
0x10f: {  	v14 =	vbroadcast v14, $0x0;
	_ =	sdelay $0x1  }
0x110: {  	s20 =	simm.s32 $0x1;
	s19 =	sadd.s32 $0x6400, s18;
	v14 =	vor.u32 v10, v14  }
.LBB2_41:
0x111: {  	p0 =	sne.s32 s20, $0x3F  }
.Ltmp24:
0x112: {  	v15 =	vmov s20;
	s20 =	sadd.s32 $0x1, s20;
	(pc) =	sbr.rel @p0 .LBB2_41-.Ltmp24, $4  }
0x113: {  	v15 =	vand.u32 $0x3F, v15  }
0x114: {  	v15 =	vbroadcast v15, $0x0  }
0x115: {  	[tilespmem:v14+s19+$0x0] =	vst.idx.msk vm0, v1  }
0x116: {  	v14 =	vor.u32 v10, v15  }
0x117: {  	_ =	sdelay $0x4  }
0x118: {  	[tilespmem:v14+s19+$0x0] =	vst.idx.msk vm0, v1  }
.LBB2_43:
0x119: {  	v14 =	vld [tilespmem:s17+$0xA0];
	_ =	sdelay $0x4  }
0x11a: {  	vm0 =	veq.s32 v14, $0x0  }
0x11b: {  	v14 =	vmpcnt.ones.xlane vm0;
	_ =	sdelay $0x1  }
0x11c: {  	(v2sf) =	vpush v14, $0x0;
	_ =	sdelay $0xe  }
0x11d: {  	s19 =	spop (v2sf)  }
0x11e: {  	p0 =	slt.s32 s19, $0x1  }
.Ltmp25:
0x11f: {  	_ = 	snop;
	(pc) =	sbr.rel @p0 .LBB2_47-.Ltmp25, $1  }
0x120: {  	_ =	sdelay $0x3  }
0x121: {  	s19 =	simm.s32 $0x0  }
0x122: {  	v14 =	vmov s19  }
0x123: {  	v14 =	vand.u32 $0x3F, v14  }
0x124: {  	v14 =	vbroadcast v14, $0x0;
	_ =	sdelay $0x1  }
0x125: {  	s20 =	simm.s32 $0x1;
	s19 =	sadd.s32 $0x6400, s18;
	v14 =	vor.u32 v11, v14  }
.LBB2_45:
0x126: {  	p0 =	sne.s32 s20, $0x3F  }
.Ltmp26:
0x127: {  	v15 =	vmov s20;
	s20 =	sadd.s32 $0x1, s20;
	(pc) =	sbr.rel @p0 .LBB2_45-.Ltmp26, $4  }
0x128: {  	v15 =	vand.u32 $0x3F, v15  }
0x129: {  	v15 =	vbroadcast v15, $0x0  }
0x12a: {  	[tilespmem:v14+s19+$0x0] =	vst.idx.msk vm0, v1  }
0x12b: {  	v14 =	vor.u32 v11, v15  }
0x12c: {  	_ =	sdelay $0x4  }
0x12d: {  	[tilespmem:v14+s19+$0x0] =	vst.idx.msk vm0, v1  }
.LBB2_47:
0x12e: {  	v14 =	vld [tilespmem:s17+$0xB0];
	_ =	sdelay $0x4  }
0x12f: {  	vm0 =	veq.s32 v14, $0x0  }
0x130: {  	v14 =	vmpcnt.ones.xlane vm0;
	_ =	sdelay $0x1  }
0x131: {  	(v2sf) =	vpush v14, $0x0;
	_ =	sdelay $0xe  }
0x132: {  	s19 =	spop (v2sf)  }
0x133: {  	p0 =	slt.s32 s19, $0x1  }
.Ltmp27:
0x134: {  	_ = 	snop;
	(pc) =	sbr.rel @p0 .LBB2_51-.Ltmp27, $1  }
0x135: {  	_ =	sdelay $0x3  }
0x136: {  	s19 =	simm.s32 $0x0  }
0x137: {  	v14 =	vmov s19  }
0x138: {  	v14 =	vand.u32 $0x3F, v14  }
0x139: {  	v14 =	vbroadcast v14, $0x0;
	_ =	sdelay $0x1  }
0x13a: {  	s20 =	simm.s32 $0x1;
	s19 =	sadd.s32 $0x6400, s18;
	v14 =	vor.u32 v12, v14  }
.LBB2_49:
0x13b: {  	p0 =	sne.s32 s20, $0x3F  }
.Ltmp28:
0x13c: {  	v15 =	vmov s20;
	s20 =	sadd.s32 $0x1, s20;
	(pc) =	sbr.rel @p0 .LBB2_49-.Ltmp28, $4  }
0x13d: {  	v15 =	vand.u32 $0x3F, v15  }
0x13e: {  	v15 =	vbroadcast v15, $0x0  }
0x13f: {  	[tilespmem:v14+s19+$0x0] =	vst.idx.msk vm0, v1  }
0x140: {  	v14 =	vor.u32 v12, v15  }
0x141: {  	_ =	sdelay $0x4  }
0x142: {  	[tilespmem:v14+s19+$0x0] =	vst.idx.msk vm0, v1  }
.LBB2_51:
0x143: {  	v14 =	vld [tilespmem:s17+$0xB8];
	_ =	sdelay $0x4  }
0x144: {  	vm0 =	veq.s32 v14, $0x0  }
0x145: {  	v14 =	vmpcnt.ones.xlane vm0;
	_ =	sdelay $0x1  }
0x146: {  	(v2sf) =	vpush v14, $0x0;
	_ =	sdelay $0xe  }
0x147: {  	s31 =	spop (v2sf)  }
0x148: {  	p0 =	slt.s32 s31, $0x1  }
.Ltmp29:
0x149: {  	_ = 	snop;
	(pc) =	sbr.rel @p0 .LBB2_55-.Ltmp29, $2  }
0x14a: {  	_ =	sdelay $0x2  }
0x14b: {  	s17 =	sadd.s32 $0x6400, s18  }
0x14c: {  	s18 =	simm.s32 $0x0  }
0x14d: {  	v14 =	vmov s18  }
0x14e: {  	v14 =	vand.u32 $0x3F, v14  }
0x14f: {  	v14 =	vbroadcast v14, $0x0;
	_ =	sdelay $0x1  }
0x150: {  	s18 =	simm.s32 $0x1;
	v14 =	vor.u32 v13, v14  }
.LBB2_53:
0x151: {  	p0 =	sne.s32 s18, $0x3F  }
.Ltmp30:
0x152: {  	v15 =	vmov s18;
	s18 =	sadd.s32 $0x1, s18;
	(pc) =	sbr.rel @p0 .LBB2_53-.Ltmp30, $4  }
0x153: {  	v15 =	vand.u32 $0x3F, v15  }
0x154: {  	v15 =	vbroadcast v15, $0x0  }
0x155: {  	[tilespmem:v14+s17+$0x0] =	vst.idx.msk vm0, v1  }
0x156: {  	v14 =	vor.u32 v13, v15  }
0x157: {  	_ = 	snop  }
.Ltmp31:
0x158: {  	_ = 	snop;
	(pc) =	sbr.rel .LBB2_55-.Ltmp31, $2  }
0x159: {  	_ =	sdelay $0x2  }
0x15a: {  	[tilespmem:v14+s17+$0x0] =	vst.idx.msk vm0, v1  }
.LBB2_58:
0x15b: {  	_ =	sfence.sel $0x180000  }
0x15c: {  	[bflag:$0x0] =	sbarrier.arrive $0xFFFF  }
0x15d: {  	p0 =	sne.s32 s1, $0x0;
	_ =	strace $0x90000047  }
0x15e: {  	s0 =	sadd.s32 @!p0 $0x100000, s0;
	[bflag:$0x2] =	sbarrier.arrive $0xFFFF  }
0x15f: {  	[sflag:s0] =	ssyncadd.tile.s32 @!p0 $0x1;
	_ =	shalt  }
.Lfunc_end2:
_tile_overlayer_lowered:
.L_overlay_start_2:
0x160: {  	(tag) =	ssettag $0x2  }
0x161: {  	s0 =	rddreg [dreg:$0x0];
	s2 =	stileid.u32  }
0x162: {  	s1 =	rddreg [dreg:$0x1];
	p0 =	sne.s32 s2, $0x0  }
0x163: {  	s3 =	rddreg [dreg:$0x2];
	[bflag:$0x3] =	sbarrier.arrive $0xFFFF;
	s2 =	simm.s32 @!p0 $0x1C0D  }
0x164: {  	[timem:s3], [sflag:s2] =	dma.local @!p0 [hbm:s0], s1  }
0x165: {  	s0 =	simm.s32 @!p0 $0xD  }
0x166: {  	_ =	swait.ge @!p0 [sflag:s0], s1  }
0x167: {  	s1 =	ssub.s32 @!p0 $0x0, s1;
	[sflag:s0] =	ssyncset.done @!p0 $0x0  }
0x168: {  	[sflag:s0] =	ssyncadd.s32 @!p0 s1  }
0x169: {  	[bflag:$0x3] =	sbarrier.arrive $0xFFFF  }
0x16a: {  	_ =	shalt  }

// kernel: sparse-core-data-format-call.cloned.1.call-start
scs
called_computation_lowered:
.L_overlay_start_0:
0x0: {  	s2 =	sld [smem:$0x3FD9]  }
0x1: {  	s3 =	sld [smem:$0x3FFE];
	_ =	sdelay $0x1  }
0x2: {  	s1 =	srdreg.scid  }
0x3: {  	s0 =	sand.u32 $0x1, s1  }
0x4: {  	s18 =	sshll.u32 s0, $0xA;
	s2 =	sadd.s32 s3, s2  }
0x5: {  	s2 =	sadd.s32 s2, s18  }
0x6: {  	[smem:$0x3FC6] =	sst s2  }
0x7: {  	_ = 	snop  }
0x8: {  	s2 =	sld [smem:$0x3FD0];
	(tm) =	ssettm $0x1  }
0x9: {  	s19 =	sld [smem:$0x3FFB];
	_ =	sdelay $0x3  }
0xa: {  	_ =	strace s19  }
0xb: {  	s3 =	sld [smem:$0x3FFC];
	_ =	sdelay $0x3  }
0xc: {  	_ =	strace s3  }
0xd: {  	s3 =	sld [smem:$0x3FFD];
	_ =	sdelay $0x3  }
0xe: {  	_ =	strace s3  }
0xf: {  	_ =	strace $0x8FFFFFFF  }
0x10: {  	s20 =	sld [smem:$0x3FDB];
	_ =	sdelay $0x1  }
0x11: {  	s4 =	simm.s32 $_scs_section_size  }
0x12: {  	s5 =	simm.s32 $_size__tile_overlayer_lowered;
	s6 =	simm.s32 $_tile_overlayer_lowered  }
0x13: {  	s23 =	simm.s32 $0x1BFF;
	s22 =	sshll.u32 s6, $0x1;
	s3 =	sadd.s32 s4, s20  }
0x14: {  	s7 =	simm.s32 $0x0;
	s21 =	sshll.u32 s5, $0x1;
	s5 =	sadd.s32 s22, s3  }
0x15: {  	[timem:s7], [sflag:s23] =	dma.local [hbm:s5], s21  }
0x16: {  	_ =	swait.ge [sflag:s23], s21  }
0x17: {  	s4 =	ssub.s32 $0x0, s21;
	[sflag:s23] =	ssyncset.done $0x0  }
0x18: {  	[sflag:s23] =	ssyncadd.s32 s4;
	_ =	sdelay $0x1  }
0x19: {  	s24 =	simm.s32 $0x1B8B  }
0x1a: {  	_ =	swait.ge [sflag:s24], $0x1  }
0x1b: {  	[sflag:s24] =	ssyncset.done $0x0  }
0x1c: {  	s26 =	simm.s32 $0x1B8E;
	s25 =	sld [smem:$0x3FFE];
	[sflag:s24] =	ssyncadd.s32 $0xFFFFFFFF  }
0x1d: {  	s27 =	simm.s32 $execute0_lowered;
	[smem:$0x3FD2] =	sst s26  }
0x1e: {  	s5 =	sshll.u32 s27, $0x1;
	_ =	strace $0x80000049;
	[dreg:$0x1] =	wrdreg $0xFFFFFFFF  }
0x1f: {  	s28 =	simm.s32 $_size_execute0_lowered;
	s3 =	sadd.s32 s3, s5;
	[dreg:$0x0] =	wrdreg $0x0  }
0x20: {  	s5 =	sshll.u32 s28, $0x1;
	[dreg:$0x2] =	wrdreg s3  }
0x21: {  	[dreg:$0x3] =	wrdreg s5  }
0x22: {  	[dreg:$0x4] =	wrdreg $0xC0  }
0x23: {  	_ =	task [dreg:s7], $0x5FFFF  }
0x24: {  	[dreg:$0x1] =	wrdreg $0xFFFFFFFF  }
0x25: {  	[dreg:$0x0] =	wrdreg $0x60  }
0x26: {  	[dreg:$0x2] =	wrdreg s25  }
0x27: {  	[dreg:$0x3] =	wrdreg s2  }
0x28: {  	[dreg:$0x4] =	wrdreg $0x9  }
0x29: {  	_ =	task.clear_ibuf [dreg:s7], $0x5FFFF;
	_ =	strace $0x90000049  }
0x2a: {  	s29 =	simm.s32 $0x9;
	_ =	strace $0x8000004B  }
0x2b: {  	_ =	swait.ge [sflag:s29], $0x1  }
0x2c: {  	[sflag:s29] =	ssyncadd.s32 $0xFFFFFFFF  }
0x2d: {  	_ =	strace $0x9000004B  }
0x2e: {  	_ =	sfence  }
0x2f: {  	s30 =	sld [smem:$0x0];
	_ =	sdelay $0x2  }
0x30: {  	s31 =	sshll.u32 s1, $0xD;
	s1 =	sshrl.u32 s1, $0x2  }
0x31: {  	s3 =	sand.u32 $0x4000, s31;
	s1 =	sadd.s32 s1, s30  }
0x32: {  	s0 =	sor.u32 s3, s0;
	s1 =	sshll.u32 s1, $0x11  }
0x33: {  	s0 =	sor.u32 s1, s0  }
0x34: {  	s0 =	sadd.s32 $0x8F2B, s0  }
0x35: {  	[sflag:s0] =	ssyncadd.remote.s32 $0x1  }
0x36: {  	_ =	sfence.sel $0xFFFF  }
0x37: {  	[dreg:$0x0] =	wrdreg $0xFFFFFFFF;
	(pc) =	sbr.abs _section_cstart, $3  }
0x38: {  	[dreg:$0x1] =	wrdreg $0xFFFFFFFF  }
0x39: {  	_ =	task.clear_ibuf [dreg:s7], $0x2FFFF;
	_ =	strace $0x9FFFFFFF  }
0x3a: {  	(tm) =	ssettm $0x7FFFFFFF  }
0x3b: {  	_ =	shalt  }
tec
execute0_lowered:
.L_overlay_start_1:
0x0: {  	(tag) =	ssettag $0x1  }
0x1: {  	s0 =	srdreg.scid  }
0x2: {  	s1 =	sshll.u32 s0, $0x4  }
0x3: {  	s0 =	stileid.u32;
	s1 =	sand.u32 $0x10, s1  }
0x4: {  	s1 =	sor.u32 s0, s1  }
0x5: {  	s6 =	rddreg [dreg:$0x0];
	s4 =	simm.s32 $0x1;
	s2 =	sshll.u32 s1, $0x7  }
0x6: {  	s7 =	simm.s32 $0x2;
	s12 =	simm.s32 $0x0;
	s1 =	ssub.s32 $0x1000, s2  }
0x7: {  	s8 =	simm.s32 $0x8000;
	s13 =	simm.s32 $0x0;
	s3 =	sand.u32 $0xF80, s1  }
0x8: {  	s9 =	simm.s32 $0x0;
	s5 =	sshrl.u32 s1, $0xC;
	p0 =	sne.s32 s3, $0x0  }
.Ltmp0:
0x9: {  	s1 =	rddreg [dreg:$0x2];
	s4 =	simm.s32 @!p0 $0x0;
	(pc) =	sbr.rel .LBB1_1-.Ltmp0, $4  }
0xa: {  	s11 =	simm.s32 $0x0;
	s3 =	rddreg [dreg:$0x1];
	s5 =	sadd.s32 s4, s5  }
0xb: {  	_ =	strace $0x8000004A;
	s4 =	simm.s32 $0x1;
	s5 =	smul.u32 $0xC8, s5  }
0xc: {  	s6 =	sadd.s32 $0xA00, s6;
	s10 =	smov.u32 s2;
	[sflag:s4] =	ssyncpa.u1 $0x0  }
0xd: {  	p0 =	por $0x0, $0x0;
	[sflag:s7] =	ssyncpa.u1 $0x0;
	s7 =	sor.u32 $0x1, s5  }
.LBB1_4:
0xe: {  	s16 =	sshll.u32 s13, $0x3;
	s17 =	sand.u32 $0x78, s13  }
0xf: {  	s30 =	sand.u32 $0x7E00, s13;
	s12 =	sshll.u32 s12, $0xF;
	s16 =	sand.u32 $0xC00, s16  }
0x10: {  	[tilespmem:s15+$0x810 ss:$0x81] =	vst.msk $0xffff, v2;
	s31 =	sand.u32 $0x7, s13;
	s16 =	sor.u32 s17, s16;
	s17 =	sadd.s32 s3, s30  }
0x11: {  	[tilespmem:s15+$0x1020 ss:$0x81] =	vst.msk $0xffff, v0;
	s13 =	sshll.u32 s31, $0x12;
	s12 =	sadd.s32 s12, s17;
	s16 =	sshrl.u32 s16, $0x3  }
0x12: {  	[tilespmem:s15+$0x0 ss:$0x81] =	vst.msk $0xffff, v1;
	s13 =	sor.u32 $0x400, s13;
	s12 =	sadd.s32 s16, s12  }
0x13: {  	[hbm4b:s12+s13] =	stream.strided.scatter [tilespmem:s14], [sflag:$0x2], $0x2000, s8, s13, $0x20;
	[tilespmem:$0x8080] =	vst v63  }
.LBB1_5:
0x14: {  	s14 =	sadd.s32 $0x1, s9  }
0x15: {  	s12 =	sadd.s32 $0x1000, s10;
	s16 =	smov.u32 s10;
	p2 =	sgt.s32 s14, $0xC7  }
0x16: {  	s16 =	smov.u32 @p2 s12  }
0x17: {  	s14 =	simm.s32 @p2 $0x0;
	p2 =	sgt.s32 s16, $0xFFF  }
0x18: {  	s16 =	smov.u32 @p2 s2;
	p2 =	sne.s32 s11, s7  }
.Ltmp1:
0x19: {  	p1 =	slt.u32 s11, $0x2;
	(pc) =	sbr.rel @!p2 .LBB1_6-.Ltmp1, $4  }
0x1a: {  	s15 =	simm.s32 @!p1 $0x2  }
0x1b: {  	s13 =	smov.u32 s10;
	p0 =	por !p0, !p0;
	_ =	swait.ge @!p1 [sflag:s15], $0x2000  }
0x1c: {  	s12 =	smov.u32 s9;
	[sflag:s15] =	ssyncset.done @!p1 $0x0;
	s9 =	smov.u32 s14  }
0x1d: {  	s11 =	sadd.s32 $0x1, s11;
	[sflag:s15] =	ssyncadd.s32 @!p1 $0xFFFFE000;
	s10 =	smov.u32 s16  }
.LBB1_1:
0x1e: {  	p1 =	sge.u32 s11, s5  }
0x1f: {  	s14 =	sand.u32 @!p1 $0x1FFFFFF, s9  }
0x20: {  	s15 =	smulhi.u32 @!p1 $0x147AE15, s14;
	_ =	sdelay $0x1  }
0x21: {  	s15 =	smul.u32 @!p1 $0xC8, s15  }
0x22: {  	s16 =	sxor.u32 @!p1 $0xFFFFFFFF, s11;
	s17 =	smul.u32 @!p1 $0xC80, s10  }
0x23: {  	s31 =	sadd.s32 $0xFFFFFFFF, s11;
	s16 =	sshll.u32 @!p1 s16, $0xD;
	s14 =	ssub.s32 @!p1 s14, s15  }
0x24: {  	s15 =	sand.u32 @!p1 $0x2000, s16;
	s16 =	sadd.s32 @!p1 s6, s17;
	s14 =	sshll.u32 @!p1 s14, $0x4  }
0x25: {  	s17 =	simm.s32 @!p1 $0x6400;
	s14 =	sadd.s32 @!p1 s14, s16;
	s16 =	simm.s32 @!p1 $0x40  }
0x26: {  	[tilespmem:s15], [sflag:$0x1] =	stream.strided.gather @!p1 [hbm4b:s14+s16], $0x2000, s17, s16, $0x38;
	[tilespmem:$0x8080] =	vst v63  }
0x27: {  	p1 =	sge.u32 s31, s5  }
.Ltmp2:
0x28: {  	_ = 	snop;
	(pc) =	sbr.rel @p1 .LBB1_5-.Ltmp2, $1  }
0x29: {  	_ =	sdelay $0x3  }
0x2a: {  	s14 =	simm.s32 $0x1  }
0x2b: {  	_ =	swait.ge [sflag:s4], $0x2000;
	s14 =	simm.s32 @!p0 $0x0  }
0x2c: {  	[sflag:s4] =	ssyncset.done $0x0;
	s15 =	sshll.u32 s14, $0xD  }
0x2d: {  	[sflag:s4] =	ssyncadd.s32 $0xFFFFE000;
	s18 =	sor.u32 $0x20, s15  }
0x2e: {  	s14 =	smul.u32 $0x8100, s14;
	v3 =	vld [tilespmem:s18+$0x10]  }
0x2f: {  	s30 =	sand.u32 $0x1, s11;
	v2 =	vld [tilespmem:s18+$0xFFFFFFF0]  }
0x30: {  	s15 =	smul.u32 $0x8100, s30;
	s14 =	sshrl.u32 s14, $0x2;
	v0 =	vld [tilespmem:s18+$0x0]  }
0x31: {  	v1 =	vld [tilespmem:s18+$0xFFFFFFE0];
	s16 =	sor.u32 $0x4000, s14  }
0x32: {  	s31 =	sshrl.u32 s15, $0x2;
	s15 =	sadd.s32 $0x0, s16  }
0x33: {  	s17 =	simm.s32 $0x4;
	s18 =	sadd.s32 $0x40, s18;
	s14 =	sor.u32 $0x4000, s31;
	[tilespmem:s15+$0x1830 ss:$0x81] =	vst.msk $0xffff, v3  }
.LBB1_3:
0x34: {  	v3 =	vld [tilespmem:s18+$0x10];
	p1 =	sne.s32 s17, $0x1FC;
	[tilespmem:s15+$0x810 ss:$0x81] =	vst.msk $0xffff, v2;
	s19 =	smov.u32 s17;
	s17 =	sadd.s32 $0x4, s17  }
.Ltmp3:
0x35: {  	v2 =	vld [tilespmem:s18+$0xFFFFFFF0];
	[tilespmem:s15+$0x1020 ss:$0x81] =	vst.msk $0xffff, v0;
	(pc) =	sbr.rel @p1 .LBB1_3-.Ltmp3, $4  }
0x36: {  	v0 =	vld [tilespmem:s18+$0x0];
	[tilespmem:s15+$0x0 ss:$0x81] =	vst.msk $0xffff, v1  }
0x37: {  	s15 =	sshra.s32 s19, $0x2;
	v1 =	vld [tilespmem:s18+$0xFFFFFFE0]  }
0x38: {  	s15 =	sadd.s32 s15, s16  }
0x39: {  	s18 =	sadd.s32 $0x40, s18;
	[tilespmem:s15+$0x1830 ss:$0x81] =	vst.msk $0xffff, v3  }
.Ltmp4:
0x3a: {  	_ = 	snop;
	(pc) =	sbr.rel .LBB1_4-.Ltmp4, $1  }
0x3b: {  	_ =	sdelay $0x3  }
.LBB1_6:
0x3c: {  	_ =	sfence.sel $0x180000  }
0x3d: {  	s2 =	simm.s32 $0x1;
	[bflag:$0x0] =	sbarrier.arrive $0xFFFF  }
0x3e: {  	s31 =	simm.s32 $0x2;
	[sflag:s2] =	ssyncpa.u1 $0x1  }
0x3f: {  	[sflag:s31] =	ssyncpa.u1 $0x1  }
0x40: {  	p0 =	sne.s32 s0, $0x0;
	_ =	strace $0x9000004A  }
0x41: {  	s0 =	sadd.s32 @!p0 $0x100000, s1;
	[bflag:$0x2] =	sbarrier.arrive $0xFFFF  }
0x42: {  	[sflag:s0] =	ssyncadd.tile.s32 @!p0 $0x1;
	_ =	shalt  }
.Lfunc_end1:
_tile_overlayer_lowered:
.L_overlay_start_2:
0x43: {  	(tag) =	ssettag $0x2  }
0x44: {  	s0 =	rddreg [dreg:$0x0];
	s2 =	stileid.u32  }
0x45: {  	s1 =	rddreg [dreg:$0x1];
	p0 =	sne.s32 s2, $0x0  }
0x46: {  	s3 =	rddreg [dreg:$0x2];
	[bflag:$0x3] =	sbarrier.arrive $0xFFFF;
	s2 =	simm.s32 @!p0 $0x1C01  }
0x47: {  	[timem:s3], [sflag:s2] =	dma.local @!p0 [hbm:s0], s1  }
0x48: {  	s0 =	simm.s32 @!p0 $0x1  }
0x49: {  	_ =	swait.ge @!p0 [sflag:s0], s1  }
0x4a: {  	s1 =	ssub.s32 @!p0 $0x0, s1;
	[sflag:s0] =	ssyncset.done @!p0 $0x0  }
0x4b: {  	[sflag:s0] =	ssyncadd.s32 @!p0 s1  }
0x4c: {  	[bflag:$0x3] =	sbarrier.arrive $0xFFFF  }
0x4d: {  	_ =	shalt  }

</sc_bundles>
